<compile_context>
chip_gen: v7x
topology: tpu7x:2x2x1
jax: 0.10.2.dev20260603
libtpu: 0.0.44.dev20260713+nightly
codegen_flags: <defaults>
</compile_context>

<pallas_src>
import functools

import jax
import jax.numpy as jnp
from jax import lax
from jax.experimental import pallas as pl
from jax.experimental.pallas import tpu as pltpu
from jax.experimental.pallas import tpu_sc as plsc

_NC, _NS, _L = 2, 16, 16
_NW = _NC * _NS
_D = 16
_CB = 16
_FB = 8


def _gather_body(idx_hbm, table_hbm, out_hbm, idxv, rowsv, sem,
                 *, rows_per_worker):
    wid = lax.axis_index("s") * _NC + lax.axis_index("c")
    n_chunks = rows_per_worker // _CB

    def chunk_body(c, _):
        b0 = wid * rows_per_worker + c * _CB
        pltpu.sync_copy(idx_hbm.at[pl.ds(b0, _CB)], idxv)
        for h in range(_CB // _FB):
            for j in range(h * _FB, (h + 1) * _FB):
                pltpu.async_copy(table_hbm.at[idxv.at[j]], rowsv.at[j], sem)
            for j in range(h * _FB, (h + 1) * _FB):
                pltpu.make_async_copy(table_hbm.at[idxv.at[j]], rowsv.at[j],
                                      sem).wait()
        pltpu.sync_copy(rowsv, out_hbm.at[pl.ds(b0, _CB)])
        return 0

    lax.fori_loop(0, n_chunks, chunk_body, 0)


@jax.jit
def kernel(input, embedding_weight):
    B, H = input.shape
    n_emb, two_d = embedding_weight.shape
    d = two_d // 2
    assert d == _D and B % (_NW * _CB) == 0
    rows_per_worker = B // _NW
    mu_table = embedding_weight[:, :d]

    mesh = plsc.VectorSubcoreMesh(core_axis_name="c", subcore_axis_name="s")
    out = pl.kernel(
        functools.partial(_gather_body, rows_per_worker=rows_per_worker),
        out_type=jax.ShapeDtypeStruct((B, H, d), jnp.float32),
        mesh=mesh,
        compiler_params=pltpu.CompilerParams(use_tc_tiling_on_sc=False),
        scratch_types=[
            pltpu.VMEM((_CB, H), jnp.int32),
            pltpu.VMEM((_CB, H, _D), jnp.float32),
            pltpu.SemaphoreType.DMA,
        ],
    )(input.astype(jnp.int32), mu_table)
    return out

# --- scband reference (transcript-rebuilt; emitter-appended) ---
"""Pipeline reference for scband-gaussian-embedding-17205638987829 (READ-ONLY COPY).

The authoritative reference and input builder live on the scoring server;
editing this copy changes nothing except your own understanding.
"""

import jax, jax.numpy as jnp
import numpy as np

NUM_EMBEDDINGS = 1000000
EMBEDDING_DIM = 16
BATCH = 16384
HIST = 50

def setup_inputs(seed: int = 0) -> dict:
    key = jax.random.key(seed)
    k_idx, k_emb = jax.random.split(key)
    input_ids = jax.random.randint(k_idx, (BATCH, HIST), 0, NUM_EMBEDDINGS, dtype=jnp.int64 if jax.config.jax_enable_x64 else jnp.int32)
    # nn.Embedding weight: [num_embeddings, embedding_dim * 2] (mu concat logstd2)
    embedding_weight = jax.random.normal(k_emb, (NUM_EMBEDDINGS, EMBEDDING_DIM * 2), dtype=jnp.float32)
    return {"input": input_ids, "embedding_weight": embedding_weight}

def reference(input, embedding_weight):
    # embedding lookup (gather rows)
    embedding = jnp.take(embedding_weight, input, axis=0)  # [B, L, 2*D]
    mu = embedding[..., :EMBEDDING_DIM]
    logstd2 = embedding[..., EMBEDDING_DIM:]
    # eval-mode sample() returns mu (deterministic); logstd2 computed but unused in output
    del logstd2
    return mu

if __name__ == "__main__":
    import jax
    _d = setup_inputs()
    print(jax.jit(kernel)(*tuple(_d.values())))

</pallas_src>

<mosaic_0001>
#map = affine_map<(d0, d1) -> (0, 0)>
#map1 = affine_map<(d0, d1) -> (0, 0, 0)>
module attributes {stable_mosaic.version = 14 : i64} {
  func.func @_gather_body(%arg0: i32, %arg1: i32, %arg2: memref<16384x50xi32, #tpu.memory_space<hbm>>, %arg3: memref<1000000x16xf32, #tpu.memory_space<hbm>>, %arg4: memref<16384x50x16xf32, #tpu.memory_space<hbm>>, %arg5: memref<16x50xi32, #tpu.memory_space<vmem>>, %arg6: memref<16x50x16xf32, #tpu.memory_space<vmem>>, %arg7: memref<!tpu.dma_semaphore, #tpu.memory_space<semaphore_mem>>) attributes {dimension_semantics = [#tpu.dimension_semantics<core_parallel>, #tpu.dimension_semantics<subcore_parallel>], iteration_bounds = array<i64: 2, 16>, scalar_prefetch = 0 : i64, scratch_operands = 3 : i64, tpu.core_type = #tpu.core_type<sc_vector_subcore>, window_params = [{transform_indices = #map}, {transform_indices = #map}, {transform_indices = #map1}]} {
    %mul3A = arith.constant 2 : i32
    %mul3A_0 = arith.muli %arg1, %mul3A : i32
    %add3A = arith.addi %mul3A_0, %arg0 : i32
    %scan3A = arith.constant 0 : i32
    %scan3A_1 = arith.constant 0 : i32
    %scan3A_2 = arith.constant 32 : i32
    %scan3A_3 = arith.addi %scan3A_1, %scan3A_2 : i32
    %scan3A_4 = arith.constant 1 : i32
    %scan3A_5 = scf.for %scan3A_7 = %scan3A_1 to %scan3A_3 step %scan3A_4 iter_args(%scan3A_8 = %scan3A) -> (i32)  : i32 {
      %mul3A_9 = arith.constant 512 : i32
      %mul3A_10 = arith.muli %add3A, %mul3A_9 : i32
      %mul3A_11 = arith.constant 16 : i32
      %mul3A_12 = arith.muli %scan3A_7, %mul3A_11 : i32
      %add3A_13 = arith.addi %mul3A_10, %mul3A_12 : i32
      "tpu.region"() ({
        %run_scoped3A = tpu.sem_alloc : memref<!tpu.dma_semaphore, #tpu.memory_space<semaphore_mem>>
        %dma_start3A_397 = arith.constant 0 : i32
        %dma_start3A_398 = tpu.memref_slice %arg2[%add3A_13, %dma_start3A_397] : memref<16384x50xi32, #tpu.memory_space<hbm>> -> memref<16x50xi32, #tpu.memory_space<hbm>>
        %dma_start3A_399 = arith.constant 0 : i32
        %dma_start3A_400 = tpu.memref_slice %arg2[%add3A_13, %dma_start3A_399] : memref<16384x50xi32, #tpu.memory_space<hbm>> -> memref<16x50xi32, #tpu.memory_space<hbm>>
        tpu.enqueue_dma source(%dma_start3A_400 : memref<16x50xi32, #tpu.memory_space<hbm>>) target(%arg5 : memref<16x50xi32, #tpu.memory_space<vmem>>) target_semaphore(%run_scoped3A : memref<!tpu.dma_semaphore, #tpu.memory_space<semaphore_mem>>)
        %dma_wait3A_401 = arith.constant 0 : i32
        %dma_wait3A_402 = tpu.memref_slice %arg2[%add3A_13, %dma_wait3A_401] : memref<16384x50xi32, #tpu.memory_space<hbm>> -> memref<16x50xi32, #tpu.memory_space<hbm>>
        %dma_wait3A_403 = arith.constant 0 : i32
        %dma_wait3A_404 = tpu.memref_slice %arg2[%add3A_13, %dma_wait3A_403] : memref<16384x50xi32, #tpu.memory_space<hbm>> -> memref<16x50xi32, #tpu.memory_space<hbm>>
        tpu.wait_dma2 semaphore(%run_scoped3A : memref<!tpu.dma_semaphore, #tpu.memory_space<semaphore_mem>>) src(%dma_wait3A_404 : memref<16x50xi32, #tpu.memory_space<hbm>>) dst(%arg5 : memref<16x50xi32, #tpu.memory_space<vmem>>)
        tpu.yield
      }) : () -> ()
      %dma_start3A = arith.constant 0 : i32
      %dma_start3A_14 = arith.constant 0 : i32
      %dma_start3A_15 = arith.constant 0 : i32
      %dma_start3A_16 = arith.constant 0 : i32
      %dma_start3A_17 = tpu.memref_slice %arg6[%dma_start3A_14, %dma_start3A_15, %dma_start3A_16] : memref<16x50x16xf32, #tpu.memory_space<vmem>> -> memref<1x50x16xf32, #tpu.memory_space<vmem>>
      %dma_start3A_18 = tpu.memref_squeeze %dma_start3A_17 : memref<1x50x16xf32, #tpu.memory_space<vmem>> -> memref<50x16xf32, #tpu.memory_space<vmem>>
      %dma_start3A_19 = arith.constant 0 : i32
      %dma_start3A_20 = tpu.memref_slice %arg5[%dma_start3A, %dma_start3A_19] : memref<16x50xi32, #tpu.memory_space<vmem>> -> memref<1x50xi32, #tpu.memory_space<vmem>>
      %dma_start3A_21 = tpu.memref_squeeze %dma_start3A_20 : memref<1x50xi32, #tpu.memory_space<vmem>> -> memref<50xi32, #tpu.memory_space<vmem>>
      %dma_start3A_22 = arith.constant 0 : i32
      %dma_start3A_23 = arith.constant 0 : i32
      %dma_start3A_24 = tpu.memref_slice %arg3[%dma_start3A_22, %dma_start3A_23] : memref<1000000x16xf32, #tpu.memory_space<hbm>> -> memref<1000000x16xf32, #tpu.memory_space<hbm>>
      tpu.enqueue_indirect_dma source(%dma_start3A_24 : memref<1000000x16xf32, #tpu.memory_space<hbm>>) target(%dma_start3A_18 : memref<50x16xf32, #tpu.memory_space<vmem>>) offsets(%dma_start3A_21 : memref<50xi32, #tpu.memory_space<vmem>>) semaphore(%arg7 : memref<!tpu.dma_semaphore, #tpu.memory_space<semaphore_mem>>)
      %dma_start3A_25 = arith.constant 1 : i32
      %dma_start3A_26 = arith.constant 1 : i32
      %dma_start3A_27 = arith.constant 0 : i32
      %dma_start3A_28 = arith.constant 0 : i32
      %dma_start3A_29 = tpu.memref_slice %arg6[%dma_start3A_26, %dma_start3A_27, %dma_start3A_28] : memref<16x50x16xf32, #tpu.memory_space<vmem>> -> memref<1x50x16xf32, #tpu.memory_space<vmem>>
      %dma_start3A_30 = tpu.memref_squeeze %dma_start3A_29 : memref<1x50x16xf32, #tpu.memory_space<vmem>> -> memref<50x16xf32, #tpu.memory_space<vmem>>
      %dma_start3A_31 = arith.constant 0 : i32
      %dma_start3A_32 = tpu.memref_slice %arg5[%dma_start3A_25, %dma_start3A_31] : memref<16x50xi32, #tpu.memory_space<vmem>> -> memref<1x50xi32, #tpu.memory_space<vmem>>
      %dma_start3A_33 = tpu.memref_squeeze %dma_start3A_32 : memref<1x50xi32, #tpu.memory_space<vmem>> -> memref<50xi32, #tpu.memory_space<vmem>>
      %dma_start3A_34 = arith.constant 0 : i32
      %dma_start3A_35 = arith.constant 0 : i32
      %dma_start3A_36 = tpu.memref_slice %arg3[%dma_start3A_34, %dma_start3A_35] : memref<1000000x16xf32, #tpu.memory_space<hbm>> -> memref<1000000x16xf32, #tpu.memory_space<hbm>>
      tpu.enqueue_indirect_dma source(%dma_start3A_36 : memref<1000000x16xf32, #tpu.memory_space<hbm>>) target(%dma_start3A_30 : memref<50x16xf32, #tpu.memory_space<vmem>>) offsets(%dma_start3A_33 : memref<50xi32, #tpu.memory_space<vmem>>) semaphore(%arg7 : memref<!tpu.dma_semaphore, #tpu.memory_space<semaphore_mem>>)
      %dma_start3A_37 = arith.constant 2 : i32
      %dma_start3A_38 = arith.constant 2 : i32
      %dma_start3A_39 = arith.constant 0 : i32
      %dma_start3A_40 = arith.constant 0 : i32
      %dma_start3A_41 = tpu.memref_slice %arg6[%dma_start3A_38, %dma_start3A_39, %dma_start3A_40] : memref<16x50x16xf32, #tpu.memory_space<vmem>> -> memref<1x50x16xf32, #tpu.memory_space<vmem>>
      %dma_start3A_42 = tpu.memref_squeeze %dma_start3A_41 : memref<1x50x16xf32, #tpu.memory_space<vmem>> -> memref<50x16xf32, #tpu.memory_space<vmem>>
      %dma_start3A_43 = arith.constant 0 : i32
      %dma_start3A_44 = tpu.memref_slice %arg5[%dma_start3A_37, %dma_start3A_43] : memref<16x50xi32, #tpu.memory_space<vmem>> -> memref<1x50xi32, #tpu.memory_space<vmem>>
      %dma_start3A_45 = tpu.memref_squeeze %dma_start3A_44 : memref<1x50xi32, #tpu.memory_space<vmem>> -> memref<50xi32, #tpu.memory_space<vmem>>
      %dma_start3A_46 = arith.constant 0 : i32
      %dma_start3A_47 = arith.constant 0 : i32
      %dma_start3A_48 = tpu.memref_slice %arg3[%dma_start3A_46, %dma_start3A_47] : memref<1000000x16xf32, #tpu.memory_space<hbm>> -> memref<1000000x16xf32, #tpu.memory_space<hbm>>
      tpu.enqueue_indirect_dma source(%dma_start3A_48 : memref<1000000x16xf32, #tpu.memory_space<hbm>>) target(%dma_start3A_42 : memref<50x16xf32, #tpu.memory_space<vmem>>) offsets(%dma_start3A_45 : memref<50xi32, #tpu.memory_space<vmem>>) semaphore(%arg7 : memref<!tpu.dma_semaphore, #tpu.memory_space<semaphore_mem>>)
      %dma_start3A_49 = arith.constant 3 : i32
      %dma_start3A_50 = arith.constant 3 : i32
      %dma_start3A_51 = arith.constant 0 : i32
      %dma_start3A_52 = arith.constant 0 : i32
      %dma_start3A_53 = tpu.memref_slice %arg6[%dma_start3A_50, %dma_start3A_51, %dma_start3A_52] : memref<16x50x16xf32, #tpu.memory_space<vmem>> -> memref<1x50x16xf32, #tpu.memory_space<vmem>>
      %dma_start3A_54 = tpu.memref_squeeze %dma_start3A_53 : memref<1x50x16xf32, #tpu.memory_space<vmem>> -> memref<50x16xf32, #tpu.memory_space<vmem>>
      %dma_start3A_55 = arith.constant 0 : i32
      %dma_start3A_56 = tpu.memref_slice %arg5[%dma_start3A_49, %dma_start3A_55] : memref<16x50xi32, #tpu.memory_space<vmem>> -> memref<1x50xi32, #tpu.memory_space<vmem>>
      %dma_start3A_57 = tpu.memref_squeeze %dma_start3A_56 : memref<1x50xi32, #tpu.memory_space<vmem>> -> memref<50xi32, #tpu.memory_space<vmem>>
      %dma_start3A_58 = arith.constant 0 : i32
      %dma_start3A_59 = arith.constant 0 : i32
      %dma_start3A_60 = tpu.memref_slice %arg3[%dma_start3A_58, %dma_start3A_59] : memref<1000000x16xf32, #tpu.memory_space<hbm>> -> memref<1000000x16xf32, #tpu.memory_space<hbm>>
      tpu.enqueue_indirect_dma source(%dma_start3A_60 : memref<1000000x16xf32, #tpu.memory_space<hbm>>) target(%dma_start3A_54 : memref<50x16xf32, #tpu.memory_space<vmem>>) offsets(%dma_start3A_57 : memref<50xi32, #tpu.memory_space<vmem>>) semaphore(%arg7 : memref<!tpu.dma_semaphore, #tpu.memory_space<semaphore_mem>>)
      %dma_start3A_61 = arith.constant 4 : i32
      %dma_start3A_62 = arith.constant 4 : i32
      %dma_start3A_63 = arith.constant 0 : i32
      %dma_start3A_64 = arith.constant 0 : i32
      %dma_start3A_65 = tpu.memref_slice %arg6[%dma_start3A_62, %dma_start3A_63, %dma_start3A_64] : memref<16x50x16xf32, #tpu.memory_space<vmem>> -> memref<1x50x16xf32, #tpu.memory_space<vmem>>
      %dma_start3A_66 = tpu.memref_squeeze %dma_start3A_65 : memref<1x50x16xf32, #tpu.memory_space<vmem>> -> memref<50x16xf32, #tpu.memory_space<vmem>>
      %dma_start3A_67 = arith.constant 0 : i32
      %dma_start3A_68 = tpu.memref_slice %arg5[%dma_start3A_61, %dma_start3A_67] : memref<16x50xi32, #tpu.memory_space<vmem>> -> memref<1x50xi32, #tpu.memory_space<vmem>>
      %dma_start3A_69 = tpu.memref_squeeze %dma_start3A_68 : memref<1x50xi32, #tpu.memory_space<vmem>> -> memref<50xi32, #tpu.memory_space<vmem>>
      %dma_start3A_70 = arith.constant 0 : i32
      %dma_start3A_71 = arith.constant 0 : i32
      %dma_start3A_72 = tpu.memref_slice %arg3[%dma_start3A_70, %dma_start3A_71] : memref<1000000x16xf32, #tpu.memory_space<hbm>> -> memref<1000000x16xf32, #tpu.memory_space<hbm>>
      tpu.enqueue_indirect_dma source(%dma_start3A_72 : memref<1000000x16xf32, #tpu.memory_space<hbm>>) target(%dma_start3A_66 : memref<50x16xf32, #tpu.memory_space<vmem>>) offsets(%dma_start3A_69 : memref<50xi32, #tpu.memory_space<vmem>>) semaphore(%arg7 : memref<!tpu.dma_semaphore, #tpu.memory_space<semaphore_mem>>)
      %dma_start3A_73 = arith.constant 5 : i32
      %dma_start3A_74 = arith.constant 5 : i32
      %dma_start3A_75 = arith.constant 0 : i32
      %dma_start3A_76 = arith.constant 0 : i32
      %dma_start3A_77 = tpu.memref_slice %arg6[%dma_start3A_74, %dma_start3A_75, %dma_start3A_76] : memref<16x50x16xf32, #tpu.memory_space<vmem>> -> memref<1x50x16xf32, #tpu.memory_space<vmem>>
      %dma_start3A_78 = tpu.memref_squeeze %dma_start3A_77 : memref<1x50x16xf32, #tpu.memory_space<vmem>> -> memref<50x16xf32, #tpu.memory_space<vmem>>
      %dma_start3A_79 = arith.constant 0 : i32
      %dma_start3A_80 = tpu.memref_slice %arg5[%dma_start3A_73, %dma_start3A_79] : memref<16x50xi32, #tpu.memory_space<vmem>> -> memref<1x50xi32, #tpu.memory_space<vmem>>
      %dma_start3A_81 = tpu.memref_squeeze %dma_start3A_80 : memref<1x50xi32, #tpu.memory_space<vmem>> -> memref<50xi32, #tpu.memory_space<vmem>>
      %dma_start3A_82 = arith.constant 0 : i32
      %dma_start3A_83 = arith.constant 0 : i32
      %dma_start3A_84 = tpu.memref_slice %arg3[%dma_start3A_82, %dma_start3A_83] : memref<1000000x16xf32, #tpu.memory_space<hbm>> -> memref<1000000x16xf32, #tpu.memory_space<hbm>>
      tpu.enqueue_indirect_dma source(%dma_start3A_84 : memref<1000000x16xf32, #tpu.memory_space<hbm>>) target(%dma_start3A_78 : memref<50x16xf32, #tpu.memory_space<vmem>>) offsets(%dma_start3A_81 : memref<50xi32, #tpu.memory_space<vmem>>) semaphore(%arg7 : memref<!tpu.dma_semaphore, #tpu.memory_space<semaphore_mem>>)
      %dma_start3A_85 = arith.constant 6 : i32
      %dma_start3A_86 = arith.constant 6 : i32
      %dma_start3A_87 = arith.constant 0 : i32
      %dma_start3A_88 = arith.constant 0 : i32
      %dma_start3A_89 = tpu.memref_slice %arg6[%dma_start3A_86, %dma_start3A_87, %dma_start3A_88] : memref<16x50x16xf32, #tpu.memory_space<vmem>> -> memref<1x50x16xf32, #tpu.memory_space<vmem>>
      %dma_start3A_90 = tpu.memref_squeeze %dma_start3A_89 : memref<1x50x16xf32, #tpu.memory_space<vmem>> -> memref<50x16xf32, #tpu.memory_space<vmem>>
      %dma_start3A_91 = arith.constant 0 : i32
      %dma_start3A_92 = tpu.memref_slice %arg5[%dma_start3A_85, %dma_start3A_91] : memref<16x50xi32, #tpu.memory_space<vmem>> -> memref<1x50xi32, #tpu.memory_space<vmem>>
      %dma_start3A_93 = tpu.memref_squeeze %dma_start3A_92 : memref<1x50xi32, #tpu.memory_space<vmem>> -> memref<50xi32, #tpu.memory_space<vmem>>
      %dma_start3A_94 = arith.constant 0 : i32
      %dma_start3A_95 = arith.constant 0 : i32
      %dma_start3A_96 = tpu.memref_slice %arg3[%dma_start3A_94, %dma_start3A_95] : memref<1000000x16xf32, #tpu.memory_space<hbm>> -> memref<1000000x16xf32, #tpu.memory_space<hbm>>
      tpu.enqueue_indirect_dma source(%dma_start3A_96 : memref<1000000x16xf32, #tpu.memory_space<hbm>>) target(%dma_start3A_90 : memref<50x16xf32, #tpu.memory_space<vmem>>) offsets(%dma_start3A_93 : memref<50xi32, #tpu.memory_space<vmem>>) semaphore(%arg7 : memref<!tpu.dma_semaphore, #tpu.memory_space<semaphore_mem>>)
      %dma_start3A_97 = arith.constant 7 : i32
      %dma_start3A_98 = arith.constant 7 : i32
      %dma_start3A_99 = arith.constant 0 : i32
      %dma_start3A_100 = arith.constant 0 : i32
      %dma_start3A_101 = tpu.memref_slice %arg6[%dma_start3A_98, %dma_start3A_99, %dma_start3A_100] : memref<16x50x16xf32, #tpu.memory_space<vmem>> -> memref<1x50x16xf32, #tpu.memory_space<vmem>>
      %dma_start3A_102 = tpu.memref_squeeze %dma_start3A_101 : memref<1x50x16xf32, #tpu.memory_space<vmem>> -> memref<50x16xf32, #tpu.memory_space<vmem>>
      %dma_start3A_103 = arith.constant 0 : i32
      %dma_start3A_104 = tpu.memref_slice %arg5[%dma_start3A_97, %dma_start3A_103] : memref<16x50xi32, #tpu.memory_space<vmem>> -> memref<1x50xi32, #tpu.memory_space<vmem>>
      %dma_start3A_105 = tpu.memref_squeeze %dma_start3A_104 : memref<1x50xi32, #tpu.memory_space<vmem>> -> memref<50xi32, #tpu.memory_space<vmem>>
      %dma_start3A_106 = arith.constant 0 : i32
      %dma_start3A_107 = arith.constant 0 : i32
      %dma_start3A_108 = tpu.memref_slice %arg3[%dma_start3A_106, %dma_start3A_107] : memref<1000000x16xf32, #tpu.memory_space<hbm>> -> memref<1000000x16xf32, #tpu.memory_space<hbm>>
      tpu.enqueue_indirect_dma source(%dma_start3A_108 : memref<1000000x16xf32, #tpu.memory_space<hbm>>) target(%dma_start3A_102 : memref<50x16xf32, #tpu.memory_space<vmem>>) offsets(%dma_start3A_105 : memref<50xi32, #tpu.memory_space<vmem>>) semaphore(%arg7 : memref<!tpu.dma_semaphore, #tpu.memory_space<semaphore_mem>>)
      %dma_wait3A = arith.constant 0 : i32
      %dma_wait3A_109 = arith.constant 0 : i32
      %dma_wait3A_110 = arith.constant 0 : i32
      %dma_wait3A_111 = arith.constant 0 : i32
      %dma_wait3A_112 = tpu.memref_slice %arg6[%dma_wait3A_109, %dma_wait3A_110, %dma_wait3A_111] : memref<16x50x16xf32, #tpu.memory_space<vmem>> -> memref<1x50x16xf32, #tpu.memory_space<vmem>>
      %dma_wait3A_113 = tpu.memref_squeeze %dma_wait3A_112 : memref<1x50x16xf32, #tpu.memory_space<vmem>> -> memref<50x16xf32, #tpu.memory_space<vmem>>
      %dma_wait3A_114 = arith.constant 0 : i32
      %dma_wait3A_115 = tpu.memref_slice %arg5[%dma_wait3A, %dma_wait3A_114] : memref<16x50xi32, #tpu.memory_space<vmem>> -> memref<1x50xi32, #tpu.memory_space<vmem>>
      %dma_wait3A_116 = tpu.memref_squeeze %dma_wait3A_115 : memref<1x50xi32, #tpu.memory_space<vmem>> -> memref<50xi32, #tpu.memory_space<vmem>>
      %dma_wait3A_117 = arith.constant 0 : i32
      %dma_wait3A_118 = arith.constant 0 : i32
      %dma_wait3A_119 = tpu.memref_slice %arg3[%dma_wait3A_117, %dma_wait3A_118] : memref<1000000x16xf32, #tpu.memory_space<hbm>> -> memref<1000000x16xf32, #tpu.memory_space<hbm>>
      tpu.wait_indirect_dma semaphore(%arg7 : memref<!tpu.dma_semaphore, #tpu.memory_space<semaphore_mem>>) src(%dma_wait3A_119 : memref<1000000x16xf32, #tpu.memory_space<hbm>>) dst(%dma_wait3A_113 : memref<50x16xf32, #tpu.memory_space<vmem>>)
      %dma_wait3A_120 = arith.constant 1 : i32
      %dma_wait3A_121 = arith.constant 1 : i32
      %dma_wait3A_122 = arith.constant 0 : i32
      %dma_wait3A_123 = arith.constant 0 : i32
      %dma_wait3A_124 = tpu.memref_slice %arg6[%dma_wait3A_121, %dma_wait3A_122, %dma_wait3A_123] : memref<16x50x16xf32, #tpu.memory_space<vmem>> -> memref<1x50x16xf32, #tpu.memory_space<vmem>>
      %dma_wait3A_125 = tpu.memref_squeeze %dma_wait3A_124 : memref<1x50x16xf32, #tpu.memory_space<vmem>> -> memref<50x16xf32, #tpu.memory_space<vmem>>
      %dma_wait3A_126 = arith.constant 0 : i32
      %dma_wait3A_127 = tpu.memref_slice %arg5[%dma_wait3A_120, %dma_wait3A_126] : memref<16x50xi32, #tpu.memory_space<vmem>> -> memref<1x50xi32, #tpu.memory_space<vmem>>
      %dma_wait3A_128 = tpu.memref_squeeze %dma_wait3A_127 : memref<1x50xi32, #tpu.memory_space<vmem>> -> memref<50xi32, #tpu.memory_space<vmem>>
      %dma_wait3A_129 = arith.constant 0 : i32
      %dma_wait3A_130 = arith.constant 0 : i32
      %dma_wait3A_131 = tpu.memref_slice %arg3[%dma_wait3A_129, %dma_wait3A_130] : memref<1000000x16xf32, #tpu.memory_space<hbm>> -> memref<1000000x16xf32, #tpu.memory_space<hbm>>
      tpu.wait_indirect_dma semaphore(%arg7 : memref<!tpu.dma_semaphore, #tpu.memory_space<semaphore_mem>>) src(%dma_wait3A_131 : memref<1000000x16xf32, #tpu.memory_space<hbm>>) dst(%dma_wait3A_125 : memref<50x16xf32, #tpu.memory_space<vmem>>)
      %dma_wait3A_132 = arith.constant 2 : i32
      %dma_wait3A_133 = arith.constant 2 : i32
      %dma_wait3A_134 = arith.constant 0 : i32
      %dma_wait3A_135 = arith.constant 0 : i32
      %dma_wait3A_136 = tpu.memref_slice %arg6[%dma_wait3A_133, %dma_wait3A_134, %dma_wait3A_135] : memref<16x50x16xf32, #tpu.memory_space<vmem>> -> memref<1x50x16xf32, #tpu.memory_space<vmem>>
      %dma_wait3A_137 = tpu.memref_squeeze %dma_wait3A_136 : memref<1x50x16xf32, #tpu.memory_space<vmem>> -> memref<50x16xf32, #tpu.memory_space<vmem>>
      %dma_wait3A_138 = arith.constant 0 : i32
      %dma_wait3A_139 = tpu.memref_slice %arg5[%dma_wait3A_132, %dma_wait3A_138] : memref<16x50xi32, #tpu.memory_space<vmem>> -> memref<1x50xi32, #tpu.memory_space<vmem>>
      %dma_wait3A_140 = tpu.memref_squeeze %dma_wait3A_139 : memref<1x50xi32, #tpu.memory_space<vmem>> -> memref<50xi32, #tpu.memory_space<vmem>>
      %dma_wait3A_141 = arith.constant 0 : i32
      %dma_wait3A_142 = arith.constant 0 : i32
      %dma_wait3A_143 = tpu.memref_slice %arg3[%dma_wait3A_141, %dma_wait3A_142] : memref<1000000x16xf32, #tpu.memory_space<hbm>> -> memref<1000000x16xf32, #tpu.memory_space<hbm>>
      tpu.wait_indirect_dma semaphore(%arg7 : memref<!tpu.dma_semaphore, #tpu.memory_space<semaphore_mem>>) src(%dma_wait3A_143 : memref<1000000x16xf32, #tpu.memory_space<hbm>>) dst(%dma_wait3A_137 : memref<50x16xf32, #tpu.memory_space<vmem>>)
      %dma_wait3A_144 = arith.constant 3 : i32
      %dma_wait3A_145 = arith.constant 3 : i32
      %dma_wait3A_146 = arith.constant 0 : i32
      %dma_wait3A_147 = arith.constant 0 : i32
      %dma_wait3A_148 = tpu.memref_slice %arg6[%dma_wait3A_145, %dma_wait3A_146, %dma_wait3A_147] : memref<16x50x16xf32, #tpu.memory_space<vmem>> -> memref<1x50x16xf32, #tpu.memory_space<vmem>>
      %dma_wait3A_149 = tpu.memref_squeeze %dma_wait3A_148 : memref<1x50x16xf32, #tpu.memory_space<vmem>> -> memref<50x16xf32, #tpu.memory_space<vmem>>
      %dma_wait3A_150 = arith.constant 0 : i32
      %dma_wait3A_151 = tpu.memref_slice %arg5[%dma_wait3A_144, %dma_wait3A_150] : memref<16x50xi32, #tpu.memory_space<vmem>> -> memref<1x50xi32, #tpu.memory_space<vmem>>
      %dma_wait3A_152 = tpu.memref_squeeze %dma_wait3A_151 : memref<1x50xi32, #tpu.memory_space<vmem>> -> memref<50xi32, #tpu.memory_space<vmem>>
      %dma_wait3A_153 = arith.constant 0 : i32
      %dma_wait3A_154 = arith.constant 0 : i32
      %dma_wait3A_155 = tpu.memref_slice %arg3[%dma_wait3A_153, %dma_wait3A_154] : memref<1000000x16xf32, #tpu.memory_space<hbm>> -> memref<1000000x16xf32, #tpu.memory_space<hbm>>
      tpu.wait_indirect_dma semaphore(%arg7 : memref<!tpu.dma_semaphore, #tpu.memory_space<semaphore_mem>>) src(%dma_wait3A_155 : memref<1000000x16xf32, #tpu.memory_space<hbm>>) dst(%dma_wait3A_149 : memref<50x16xf32, #tpu.memory_space<vmem>>)
      %dma_wait3A_156 = arith.constant 4 : i32
      %dma_wait3A_157 = arith.constant 4 : i32
      %dma_wait3A_158 = arith.constant 0 : i32
      %dma_wait3A_159 = arith.constant 0 : i32
      %dma_wait3A_160 = tpu.memref_slice %arg6[%dma_wait3A_157, %dma_wait3A_158, %dma_wait3A_159] : memref<16x50x16xf32, #tpu.memory_space<vmem>> -> memref<1x50x16xf32, #tpu.memory_space<vmem>>
      %dma_wait3A_161 = tpu.memref_squeeze %dma_wait3A_160 : memref<1x50x16xf32, #tpu.memory_space<vmem>> -> memref<50x16xf32, #tpu.memory_space<vmem>>
      %dma_wait3A_162 = arith.constant 0 : i32
      %dma_wait3A_163 = tpu.memref_slice %arg5[%dma_wait3A_156, %dma_wait3A_162] : memref<16x50xi32, #tpu.memory_space<vmem>> -> memref<1x50xi32, #tpu.memory_space<vmem>>
      %dma_wait3A_164 = tpu.memref_squeeze %dma_wait3A_163 : memref<1x50xi32, #tpu.memory_space<vmem>> -> memref<50xi32, #tpu.memory_space<vmem>>
      %dma_wait3A_165 = arith.constant 0 : i32
      %dma_wait3A_166 = arith.constant 0 : i32
      %dma_wait3A_167 = tpu.memref_slice %arg3[%dma_wait3A_165, %dma_wait3A_166] : memref<1000000x16xf32, #tpu.memory_space<hbm>> -> memref<1000000x16xf32, #tpu.memory_space<hbm>>
      tpu.wait_indirect_dma semaphore(%arg7 : memref<!tpu.dma_semaphore, #tpu.memory_space<semaphore_mem>>) src(%dma_wait3A_167 : memref<1000000x16xf32, #tpu.memory_space<hbm>>) dst(%dma_wait3A_161 : memref<50x16xf32, #tpu.memory_space<vmem>>)
      %dma_wait3A_168 = arith.constant 5 : i32
      %dma_wait3A_169 = arith.constant 5 : i32
      %dma_wait3A_170 = arith.constant 0 : i32
      %dma_wait3A_171 = arith.constant 0 : i32
      %dma_wait3A_172 = tpu.memref_slice %arg6[%dma_wait3A_169, %dma_wait3A_170, %dma_wait3A_171] : memref<16x50x16xf32, #tpu.memory_space<vmem>> -> memref<1x50x16xf32, #tpu.memory_space<vmem>>
      %dma_wait3A_173 = tpu.memref_squeeze %dma_wait3A_172 : memref<1x50x16xf32, #tpu.memory_space<vmem>> -> memref<50x16xf32, #tpu.memory_space<vmem>>
      %dma_wait3A_174 = arith.constant 0 : i32
      %dma_wait3A_175 = tpu.memref_slice %arg5[%dma_wait3A_168, %dma_wait3A_174] : memref<16x50xi32, #tpu.memory_space<vmem>> -> memref<1x50xi32, #tpu.memory_space<vmem>>
      %dma_wait3A_176 = tpu.memref_squeeze %dma_wait3A_175 : memref<1x50xi32, #tpu.memory_space<vmem>> -> memref<50xi32, #tpu.memory_space<vmem>>
      %dma_wait3A_177 = arith.constant 0 : i32
      %dma_wait3A_178 = arith.constant 0 : i32
      %dma_wait3A_179 = tpu.memref_slice %arg3[%dma_wait3A_177, %dma_wait3A_178] : memref<1000000x16xf32, #tpu.memory_space<hbm>> -> memref<1000000x16xf32, #tpu.memory_space<hbm>>
      tpu.wait_indirect_dma semaphore(%arg7 : memref<!tpu.dma_semaphore, #tpu.memory_space<semaphore_mem>>) src(%dma_wait3A_179 : memref<1000000x16xf32, #tpu.memory_space<hbm>>) dst(%dma_wait3A_173 : memref<50x16xf32, #tpu.memory_space<vmem>>)
      %dma_wait3A_180 = arith.constant 6 : i32
      %dma_wait3A_181 = arith.constant 6 : i32
      %dma_wait3A_182 = arith.constant 0 : i32
      %dma_wait3A_183 = arith.constant 0 : i32
      %dma_wait3A_184 = tpu.memref_slice %arg6[%dma_wait3A_181, %dma_wait3A_182, %dma_wait3A_183] : memref<16x50x16xf32, #tpu.memory_space<vmem>> -> memref<1x50x16xf32, #tpu.memory_space<vmem>>
      %dma_wait3A_185 = tpu.memref_squeeze %dma_wait3A_184 : memref<1x50x16xf32, #tpu.memory_space<vmem>> -> memref<50x16xf32, #tpu.memory_space<vmem>>
      %dma_wait3A_186 = arith.constant 0 : i32
      %dma_wait3A_187 = tpu.memref_slice %arg5[%dma_wait3A_180, %dma_wait3A_186] : memref<16x50xi32, #tpu.memory_space<vmem>> -> memref<1x50xi32, #tpu.memory_space<vmem>>
      %dma_wait3A_188 = tpu.memref_squeeze %dma_wait3A_187 : memref<1x50xi32, #tpu.memory_space<vmem>> -> memref<50xi32, #tpu.memory_space<vmem>>
      %dma_wait3A_189 = arith.constant 0 : i32
      %dma_wait3A_190 = arith.constant 0 : i32
      %dma_wait3A_191 = tpu.memref_slice %arg3[%dma_wait3A_189, %dma_wait3A_190] : memref<1000000x16xf32, #tpu.memory_space<hbm>> -> memref<1000000x16xf32, #tpu.memory_space<hbm>>
      tpu.wait_indirect_dma semaphore(%arg7 : memref<!tpu.dma_semaphore, #tpu.memory_space<semaphore_mem>>) src(%dma_wait3A_191 : memref<1000000x16xf32, #tpu.memory_space<hbm>>) dst(%dma_wait3A_185 : memref<50x16xf32, #tpu.memory_space<vmem>>)
      %dma_wait3A_192 = arith.constant 7 : i32
      %dma_wait3A_193 = arith.constant 7 : i32
      %dma_wait3A_194 = arith.constant 0 : i32
      %dma_wait3A_195 = arith.constant 0 : i32
      %dma_wait3A_196 = tpu.memref_slice %arg6[%dma_wait3A_193, %dma_wait3A_194, %dma_wait3A_195] : memref<16x50x16xf32, #tpu.memory_space<vmem>> -> memref<1x50x16xf32, #tpu.memory_space<vmem>>
      %dma_wait3A_197 = tpu.memref_squeeze %dma_wait3A_196 : memref<1x50x16xf32, #tpu.memory_space<vmem>> -> memref<50x16xf32, #tpu.memory_space<vmem>>
      %dma_wait3A_198 = arith.constant 0 : i32
      %dma_wait3A_199 = tpu.memref_slice %arg5[%dma_wait3A_192, %dma_wait3A_198] : memref<16x50xi32, #tpu.memory_space<vmem>> -> memref<1x50xi32, #tpu.memory_space<vmem>>
      %dma_wait3A_200 = tpu.memref_squeeze %dma_wait3A_199 : memref<1x50xi32, #tpu.memory_space<vmem>> -> memref<50xi32, #tpu.memory_space<vmem>>
      %dma_wait3A_201 = arith.constant 0 : i32
      %dma_wait3A_202 = arith.constant 0 : i32
      %dma_wait3A_203 = tpu.memref_slice %arg3[%dma_wait3A_201, %dma_wait3A_202] : memref<1000000x16xf32, #tpu.memory_space<hbm>> -> memref<1000000x16xf32, #tpu.memory_space<hbm>>
      tpu.wait_indirect_dma semaphore(%arg7 : memref<!tpu.dma_semaphore, #tpu.memory_space<semaphore_mem>>) src(%dma_wait3A_203 : memref<1000000x16xf32, #tpu.memory_space<hbm>>) dst(%dma_wait3A_197 : memref<50x16xf32, #tpu.memory_space<vmem>>)
      %dma_start3A_204 = arith.constant 8 : i32
      %dma_start3A_205 = arith.constant 8 : i32
      %dma_start3A_206 = arith.constant 0 : i32
      %dma_start3A_207 = arith.constant 0 : i32
      %dma_start3A_208 = tpu.memref_slice %arg6[%dma_start3A_205, %dma_start3A_206, %dma_start3A_207] : memref<16x50x16xf32, #tpu.memory_space<vmem>> -> memref<1x50x16xf32, #tpu.memory_space<vmem>>
      %dma_start3A_209 = tpu.memref_squeeze %dma_start3A_208 : memref<1x50x16xf32, #tpu.memory_space<vmem>> -> memref<50x16xf32, #tpu.memory_space<vmem>>
      %dma_start3A_210 = arith.constant 0 : i32
      %dma_start3A_211 = tpu.memref_slice %arg5[%dma_start3A_204, %dma_start3A_210] : memref<16x50xi32, #tpu.memory_space<vmem>> -> memref<1x50xi32, #tpu.memory_space<vmem>>
      %dma_start3A_212 = tpu.memref_squeeze %dma_start3A_211 : memref<1x50xi32, #tpu.memory_space<vmem>> -> memref<50xi32, #tpu.memory_space<vmem>>
      %dma_start3A_213 = arith.constant 0 : i32
      %dma_start3A_214 = arith.constant 0 : i32
      %dma_start3A_215 = tpu.memref_slice %arg3[%dma_start3A_213, %dma_start3A_214] : memref<1000000x16xf32, #tpu.memory_space<hbm>> -> memref<1000000x16xf32, #tpu.memory_space<hbm>>
      tpu.enqueue_indirect_dma source(%dma_start3A_215 : memref<1000000x16xf32, #tpu.memory_space<hbm>>) target(%dma_start3A_209 : memref<50x16xf32, #tpu.memory_space<vmem>>) offsets(%dma_start3A_212 : memref<50xi32, #tpu.memory_space<vmem>>) semaphore(%arg7 : memref<!tpu.dma_semaphore, #tpu.memory_space<semaphore_mem>>)
      %dma_start3A_216 = arith.constant 9 : i32
      %dma_start3A_217 = arith.constant 9 : i32
      %dma_start3A_218 = arith.constant 0 : i32
      %dma_start3A_219 = arith.constant 0 : i32
      %dma_start3A_220 = tpu.memref_slice %arg6[%dma_start3A_217, %dma_start3A_218, %dma_start3A_219] : memref<16x50x16xf32, #tpu.memory_space<vmem>> -> memref<1x50x16xf32, #tpu.memory_space<vmem>>
      %dma_start3A_221 = tpu.memref_squeeze %dma_start3A_220 : memref<1x50x16xf32, #tpu.memory_space<vmem>> -> memref<50x16xf32, #tpu.memory_space<vmem>>
      %dma_start3A_222 = arith.constant 0 : i32
      %dma_start3A_223 = tpu.memref_slice %arg5[%dma_start3A_216, %dma_start3A_222] : memref<16x50xi32, #tpu.memory_space<vmem>> -> memref<1x50xi32, #tpu.memory_space<vmem>>
      %dma_start3A_224 = tpu.memref_squeeze %dma_start3A_223 : memref<1x50xi32, #tpu.memory_space<vmem>> -> memref<50xi32, #tpu.memory_space<vmem>>
      %dma_start3A_225 = arith.constant 0 : i32
      %dma_start3A_226 = arith.constant 0 : i32
      %dma_start3A_227 = tpu.memref_slice %arg3[%dma_start3A_225, %dma_start3A_226] : memref<1000000x16xf32, #tpu.memory_space<hbm>> -> memref<1000000x16xf32, #tpu.memory_space<hbm>>
      tpu.enqueue_indirect_dma source(%dma_start3A_227 : memref<1000000x16xf32, #tpu.memory_space<hbm>>) target(%dma_start3A_221 : memref<50x16xf32, #tpu.memory_space<vmem>>) offsets(%dma_start3A_224 : memref<50xi32, #tpu.memory_space<vmem>>) semaphore(%arg7 : memref<!tpu.dma_semaphore, #tpu.memory_space<semaphore_mem>>)
      %dma_start3A_228 = arith.constant 10 : i32
      %dma_start3A_229 = arith.constant 10 : i32
      %dma_start3A_230 = arith.constant 0 : i32
      %dma_start3A_231 = arith.constant 0 : i32
      %dma_start3A_232 = tpu.memref_slice %arg6[%dma_start3A_229, %dma_start3A_230, %dma_start3A_231] : memref<16x50x16xf32, #tpu.memory_space<vmem>> -> memref<1x50x16xf32, #tpu.memory_space<vmem>>
      %dma_start3A_233 = tpu.memref_squeeze %dma_start3A_232 : memref<1x50x16xf32, #tpu.memory_space<vmem>> -> memref<50x16xf32, #tpu.memory_space<vmem>>
      %dma_start3A_234 = arith.constant 0 : i32
      %dma_start3A_235 = tpu.memref_slice %arg5[%dma_start3A_228, %dma_start3A_234] : memref<16x50xi32, #tpu.memory_space<vmem>> -> memref<1x50xi32, #tpu.memory_space<vmem>>
      %dma_start3A_236 = tpu.memref_squeeze %dma_start3A_235 : memref<1x50xi32, #tpu.memory_space<vmem>> -> memref<50xi32, #tpu.memory_space<vmem>>
      %dma_start3A_237 = arith.constant 0 : i32
      %dma_start3A_238 = arith.constant 0 : i32
      %dma_start3A_239 = tpu.memref_slice %arg3[%dma_start3A_237, %dma_start3A_238] : memref<1000000x16xf32, #tpu.memory_space<hbm>> -> memref<1000000x16xf32, #tpu.memory_space<hbm>>
      tpu.enqueue_indirect_dma source(%dma_start3A_239 : memref<1000000x16xf32, #tpu.memory_space<hbm>>) target(%dma_start3A_233 : memref<50x16xf32, #tpu.memory_space<vmem>>) offsets(%dma_start3A_236 : memref<50xi32, #tpu.memory_space<vmem>>) semaphore(%arg7 : memref<!tpu.dma_semaphore, #tpu.memory_space<semaphore_mem>>)
      %dma_start3A_240 = arith.constant 11 : i32
      %dma_start3A_241 = arith.constant 11 : i32
      %dma_start3A_242 = arith.constant 0 : i32
      %dma_start3A_243 = arith.constant 0 : i32
      %dma_start3A_244 = tpu.memref_slice %arg6[%dma_start3A_241, %dma_start3A_242, %dma_start3A_243] : memref<16x50x16xf32, #tpu.memory_space<vmem>> -> memref<1x50x16xf32, #tpu.memory_space<vmem>>
      %dma_start3A_245 = tpu.memref_squeeze %dma_start3A_244 : memref<1x50x16xf32, #tpu.memory_space<vmem>> -> memref<50x16xf32, #tpu.memory_space<vmem>>
      %dma_start3A_246 = arith.constant 0 : i32
      %dma_start3A_247 = tpu.memref_slice %arg5[%dma_start3A_240, %dma_start3A_246] : memref<16x50xi32, #tpu.memory_space<vmem>> -> memref<1x50xi32, #tpu.memory_space<vmem>>
      %dma_start3A_248 = tpu.memref_squeeze %dma_start3A_247 : memref<1x50xi32, #tpu.memory_space<vmem>> -> memref<50xi32, #tpu.memory_space<vmem>>
      %dma_start3A_249 = arith.constant 0 : i32
      %dma_start3A_250 = arith.constant 0 : i32
      %dma_start3A_251 = tpu.memref_slice %arg3[%dma_start3A_249, %dma_start3A_250] : memref<1000000x16xf32, #tpu.memory_space<hbm>> -> memref<1000000x16xf32, #tpu.memory_space<hbm>>
      tpu.enqueue_indirect_dma source(%dma_start3A_251 : memref<1000000x16xf32, #tpu.memory_space<hbm>>) target(%dma_start3A_245 : memref<50x16xf32, #tpu.memory_space<vmem>>) offsets(%dma_start3A_248 : memref<50xi32, #tpu.memory_space<vmem>>) semaphore(%arg7 : memref<!tpu.dma_semaphore, #tpu.memory_space<semaphore_mem>>)
      %dma_start3A_252 = arith.constant 12 : i32
      %dma_start3A_253 = arith.constant 12 : i32
      %dma_start3A_254 = arith.constant 0 : i32
      %dma_start3A_255 = arith.constant 0 : i32
      %dma_start3A_256 = tpu.memref_slice %arg6[%dma_start3A_253, %dma_start3A_254, %dma_start3A_255] : memref<16x50x16xf32, #tpu.memory_space<vmem>> -> memref<1x50x16xf32, #tpu.memory_space<vmem>>
      %dma_start3A_257 = tpu.memref_squeeze %dma_start3A_256 : memref<1x50x16xf32, #tpu.memory_space<vmem>> -> memref<50x16xf32, #tpu.memory_space<vmem>>
      %dma_start3A_258 = arith.constant 0 : i32
      %dma_start3A_259 = tpu.memref_slice %arg5[%dma_start3A_252, %dma_start3A_258] : memref<16x50xi32, #tpu.memory_space<vmem>> -> memref<1x50xi32, #tpu.memory_space<vmem>>
      %dma_start3A_260 = tpu.memref_squeeze %dma_start3A_259 : memref<1x50xi32, #tpu.memory_space<vmem>> -> memref<50xi32, #tpu.memory_space<vmem>>
      %dma_start3A_261 = arith.constant 0 : i32
      %dma_start3A_262 = arith.constant 0 : i32
      %dma_start3A_263 = tpu.memref_slice %arg3[%dma_start3A_261, %dma_start3A_262] : memref<1000000x16xf32, #tpu.memory_space<hbm>> -> memref<1000000x16xf32, #tpu.memory_space<hbm>>
      tpu.enqueue_indirect_dma source(%dma_start3A_263 : memref<1000000x16xf32, #tpu.memory_space<hbm>>) target(%dma_start3A_257 : memref<50x16xf32, #tpu.memory_space<vmem>>) offsets(%dma_start3A_260 : memref<50xi32, #tpu.memory_space<vmem>>) semaphore(%arg7 : memref<!tpu.dma_semaphore, #tpu.memory_space<semaphore_mem>>)
      %dma_start3A_264 = arith.constant 13 : i32
      %dma_start3A_265 = arith.constant 13 : i32
      %dma_start3A_266 = arith.constant 0 : i32
      %dma_start3A_267 = arith.constant 0 : i32
      %dma_start3A_268 = tpu.memref_slice %arg6[%dma_start3A_265, %dma_start3A_266, %dma_start3A_267] : memref<16x50x16xf32, #tpu.memory_space<vmem>> -> memref<1x50x16xf32, #tpu.memory_space<vmem>>
      %dma_start3A_269 = tpu.memref_squeeze %dma_start3A_268 : memref<1x50x16xf32, #tpu.memory_space<vmem>> -> memref<50x16xf32, #tpu.memory_space<vmem>>
      %dma_start3A_270 = arith.constant 0 : i32
      %dma_start3A_271 = tpu.memref_slice %arg5[%dma_start3A_264, %dma_start3A_270] : memref<16x50xi32, #tpu.memory_space<vmem>> -> memref<1x50xi32, #tpu.memory_space<vmem>>
      %dma_start3A_272 = tpu.memref_squeeze %dma_start3A_271 : memref<1x50xi32, #tpu.memory_space<vmem>> -> memref<50xi32, #tpu.memory_space<vmem>>
      %dma_start3A_273 = arith.constant 0 : i32
      %dma_start3A_274 = arith.constant 0 : i32
      %dma_start3A_275 = tpu.memref_slice %arg3[%dma_start3A_273, %dma_start3A_274] : memref<1000000x16xf32, #tpu.memory_space<hbm>> -> memref<1000000x16xf32, #tpu.memory_space<hbm>>
      tpu.enqueue_indirect_dma source(%dma_start3A_275 : memref<1000000x16xf32, #tpu.memory_space<hbm>>) target(%dma_start3A_269 : memref<50x16xf32, #tpu.memory_space<vmem>>) offsets(%dma_start3A_272 : memref<50xi32, #tpu.memory_space<vmem>>) semaphore(%arg7 : memref<!tpu.dma_semaphore, #tpu.memory_space<semaphore_mem>>)
      %dma_start3A_276 = arith.constant 14 : i32
      %dma_start3A_277 = arith.constant 14 : i32
      %dma_start3A_278 = arith.constant 0 : i32
      %dma_start3A_279 = arith.constant 0 : i32
      %dma_start3A_280 = tpu.memref_slice %arg6[%dma_start3A_277, %dma_start3A_278, %dma_start3A_279] : memref<16x50x16xf32, #tpu.memory_space<vmem>> -> memref<1x50x16xf32, #tpu.memory_space<vmem>>
      %dma_start3A_281 = tpu.memref_squeeze %dma_start3A_280 : memref<1x50x16xf32, #tpu.memory_space<vmem>> -> memref<50x16xf32, #tpu.memory_space<vmem>>
      %dma_start3A_282 = arith.constant 0 : i32
      %dma_start3A_283 = tpu.memref_slice %arg5[%dma_start3A_276, %dma_start3A_282] : memref<16x50xi32, #tpu.memory_space<vmem>> -> memref<1x50xi32, #tpu.memory_space<vmem>>
      %dma_start3A_284 = tpu.memref_squeeze %dma_start3A_283 : memref<1x50xi32, #tpu.memory_space<vmem>> -> memref<50xi32, #tpu.memory_space<vmem>>
      %dma_start3A_285 = arith.constant 0 : i32
      %dma_start3A_286 = arith.constant 0 : i32
      %dma_start3A_287 = tpu.memref_slice %arg3[%dma_start3A_285, %dma_start3A_286] : memref<1000000x16xf32, #tpu.memory_space<hbm>> -> memref<1000000x16xf32, #tpu.memory_space<hbm>>
      tpu.enqueue_indirect_dma source(%dma_start3A_287 : memref<1000000x16xf32, #tpu.memory_space<hbm>>) target(%dma_start3A_281 : memref<50x16xf32, #tpu.memory_space<vmem>>) offsets(%dma_start3A_284 : memref<50xi32, #tpu.memory_space<vmem>>) semaphore(%arg7 : memref<!tpu.dma_semaphore, #tpu.memory_space<semaphore_mem>>)
      %dma_start3A_288 = arith.constant 15 : i32
      %dma_start3A_289 = arith.constant 15 : i32
      %dma_start3A_290 = arith.constant 0 : i32
      %dma_start3A_291 = arith.constant 0 : i32
      %dma_start3A_292 = tpu.memref_slice %arg6[%dma_start3A_289, %dma_start3A_290, %dma_start3A_291] : memref<16x50x16xf32, #tpu.memory_space<vmem>> -> memref<1x50x16xf32, #tpu.memory_space<vmem>>
      %dma_start3A_293 = tpu.memref_squeeze %dma_start3A_292 : memref<1x50x16xf32, #tpu.memory_space<vmem>> -> memref<50x16xf32, #tpu.memory_space<vmem>>
      %dma_start3A_294 = arith.constant 0 : i32
      %dma_start3A_295 = tpu.memref_slice %arg5[%dma_start3A_288, %dma_start3A_294] : memref<16x50xi32, #tpu.memory_space<vmem>> -> memref<1x50xi32, #tpu.memory_space<vmem>>
      %dma_start3A_296 = tpu.memref_squeeze %dma_start3A_295 : memref<1x50xi32, #tpu.memory_space<vmem>> -> memref<50xi32, #tpu.memory_space<vmem>>
      %dma_start3A_297 = arith.constant 0 : i32
      %dma_start3A_298 = arith.constant 0 : i32
      %dma_start3A_299 = tpu.memref_slice %arg3[%dma_start3A_297, %dma_start3A_298] : memref<1000000x16xf32, #tpu.memory_space<hbm>> -> memref<1000000x16xf32, #tpu.memory_space<hbm>>
      tpu.enqueue_indirect_dma source(%dma_start3A_299 : memref<1000000x16xf32, #tpu.memory_space<hbm>>) target(%dma_start3A_293 : memref<50x16xf32, #tpu.memory_space<vmem>>) offsets(%dma_start3A_296 : memref<50xi32, #tpu.memory_space<vmem>>) semaphore(%arg7 : memref<!tpu.dma_semaphore, #tpu.memory_space<semaphore_mem>>)
      %dma_wait3A_300 = arith.constant 8 : i32
      %dma_wait3A_301 = arith.constant 8 : i32
      %dma_wait3A_302 = arith.constant 0 : i32
      %dma_wait3A_303 = arith.constant 0 : i32
      %dma_wait3A_304 = tpu.memref_slice %arg6[%dma_wait3A_301, %dma_wait3A_302, %dma_wait3A_303] : memref<16x50x16xf32, #tpu.memory_space<vmem>> -> memref<1x50x16xf32, #tpu.memory_space<vmem>>
      %dma_wait3A_305 = tpu.memref_squeeze %dma_wait3A_304 : memref<1x50x16xf32, #tpu.memory_space<vmem>> -> memref<50x16xf32, #tpu.memory_space<vmem>>
      %dma_wait3A_306 = arith.constant 0 : i32
      %dma_wait3A_307 = tpu.memref_slice %arg5[%dma_wait3A_300, %dma_wait3A_306] : memref<16x50xi32, #tpu.memory_space<vmem>> -> memref<1x50xi32, #tpu.memory_space<vmem>>
      %dma_wait3A_308 = tpu.memref_squeeze %dma_wait3A_307 : memref<1x50xi32, #tpu.memory_space<vmem>> -> memref<50xi32, #tpu.memory_space<vmem>>
      %dma_wait3A_309 = arith.constant 0 : i32
      %dma_wait3A_310 = arith.constant 0 : i32
      %dma_wait3A_311 = tpu.memref_slice %arg3[%dma_wait3A_309, %dma_wait3A_310] : memref<1000000x16xf32, #tpu.memory_space<hbm>> -> memref<1000000x16xf32, #tpu.memory_space<hbm>>
      tpu.wait_indirect_dma semaphore(%arg7 : memref<!tpu.dma_semaphore, #tpu.memory_space<semaphore_mem>>) src(%dma_wait3A_311 : memref<1000000x16xf32, #tpu.memory_space<hbm>>) dst(%dma_wait3A_305 : memref<50x16xf32, #tpu.memory_space<vmem>>)
      %dma_wait3A_312 = arith.constant 9 : i32
      %dma_wait3A_313 = arith.constant 9 : i32
      %dma_wait3A_314 = arith.constant 0 : i32
      %dma_wait3A_315 = arith.constant 0 : i32
      %dma_wait3A_316 = tpu.memref_slice %arg6[%dma_wait3A_313, %dma_wait3A_314, %dma_wait3A_315] : memref<16x50x16xf32, #tpu.memory_space<vmem>> -> memref<1x50x16xf32, #tpu.memory_space<vmem>>
      %dma_wait3A_317 = tpu.memref_squeeze %dma_wait3A_316 : memref<1x50x16xf32, #tpu.memory_space<vmem>> -> memref<50x16xf32, #tpu.memory_space<vmem>>
      %dma_wait3A_318 = arith.constant 0 : i32
      %dma_wait3A_319 = tpu.memref_slice %arg5[%dma_wait3A_312, %dma_wait3A_318] : memref<16x50xi32, #tpu.memory_space<vmem>> -> memref<1x50xi32, #tpu.memory_space<vmem>>
      %dma_wait3A_320 = tpu.memref_squeeze %dma_wait3A_319 : memref<1x50xi32, #tpu.memory_space<vmem>> -> memref<50xi32, #tpu.memory_space<vmem>>
      %dma_wait3A_321 = arith.constant 0 : i32
      %dma_wait3A_322 = arith.constant 0 : i32
      %dma_wait3A_323 = tpu.memref_slice %arg3[%dma_wait3A_321, %dma_wait3A_322] : memref<1000000x16xf32, #tpu.memory_space<hbm>> -> memref<1000000x16xf32, #tpu.memory_space<hbm>>
      tpu.wait_indirect_dma semaphore(%arg7 : memref<!tpu.dma_semaphore, #tpu.memory_space<semaphore_mem>>) src(%dma_wait3A_323 : memref<1000000x16xf32, #tpu.memory_space<hbm>>) dst(%dma_wait3A_317 : memref<50x16xf32, #tpu.memory_space<vmem>>)
      %dma_wait3A_324 = arith.constant 10 : i32
      %dma_wait3A_325 = arith.constant 10 : i32
      %dma_wait3A_326 = arith.constant 0 : i32
      %dma_wait3A_327 = arith.constant 0 : i32
      %dma_wait3A_328 = tpu.memref_slice %arg6[%dma_wait3A_325, %dma_wait3A_326, %dma_wait3A_327] : memref<16x50x16xf32, #tpu.memory_space<vmem>> -> memref<1x50x16xf32, #tpu.memory_space<vmem>>
      %dma_wait3A_329 = tpu.memref_squeeze %dma_wait3A_328 : memref<1x50x16xf32, #tpu.memory_space<vmem>> -> memref<50x16xf32, #tpu.memory_space<vmem>>
      %dma_wait3A_330 = arith.constant 0 : i32
      %dma_wait3A_331 = tpu.memref_slice %arg5[%dma_wait3A_324, %dma_wait3A_330] : memref<16x50xi32, #tpu.memory_space<vmem>> -> memref<1x50xi32, #tpu.memory_space<vmem>>
      %dma_wait3A_332 = tpu.memref_squeeze %dma_wait3A_331 : memref<1x50xi32, #tpu.memory_space<vmem>> -> memref<50xi32, #tpu.memory_space<vmem>>
      %dma_wait3A_333 = arith.constant 0 : i32
      %dma_wait3A_334 = arith.constant 0 : i32
      %dma_wait3A_335 = tpu.memref_slice %arg3[%dma_wait3A_333, %dma_wait3A_334] : memref<1000000x16xf32, #tpu.memory_space<hbm>> -> memref<1000000x16xf32, #tpu.memory_space<hbm>>
      tpu.wait_indirect_dma semaphore(%arg7 : memref<!tpu.dma_semaphore, #tpu.memory_space<semaphore_mem>>) src(%dma_wait3A_335 : memref<1000000x16xf32, #tpu.memory_space<hbm>>) dst(%dma_wait3A_329 : memref<50x16xf32, #tpu.memory_space<vmem>>)
      %dma_wait3A_336 = arith.constant 11 : i32
      %dma_wait3A_337 = arith.constant 11 : i32
      %dma_wait3A_338 = arith.constant 0 : i32
      %dma_wait3A_339 = arith.constant 0 : i32
      %dma_wait3A_340 = tpu.memref_slice %arg6[%dma_wait3A_337, %dma_wait3A_338, %dma_wait3A_339] : memref<16x50x16xf32, #tpu.memory_space<vmem>> -> memref<1x50x16xf32, #tpu.memory_space<vmem>>
      %dma_wait3A_341 = tpu.memref_squeeze %dma_wait3A_340 : memref<1x50x16xf32, #tpu.memory_space<vmem>> -> memref<50x16xf32, #tpu.memory_space<vmem>>
      %dma_wait3A_342 = arith.constant 0 : i32
      %dma_wait3A_343 = tpu.memref_slice %arg5[%dma_wait3A_336, %dma_wait3A_342] : memref<16x50xi32, #tpu.memory_space<vmem>> -> memref<1x50xi32, #tpu.memory_space<vmem>>
      %dma_wait3A_344 = tpu.memref_squeeze %dma_wait3A_343 : memref<1x50xi32, #tpu.memory_space<vmem>> -> memref<50xi32, #tpu.memory_space<vmem>>
      %dma_wait3A_345 = arith.constant 0 : i32
      %dma_wait3A_346 = arith.constant 0 : i32
      %dma_wait3A_347 = tpu.memref_slice %arg3[%dma_wait3A_345, %dma_wait3A_346] : memref<1000000x16xf32, #tpu.memory_space<hbm>> -> memref<1000000x16xf32, #tpu.memory_space<hbm>>
      tpu.wait_indirect_dma semaphore(%arg7 : memref<!tpu.dma_semaphore, #tpu.memory_space<semaphore_mem>>) src(%dma_wait3A_347 : memref<1000000x16xf32, #tpu.memory_space<hbm>>) dst(%dma_wait3A_341 : memref<50x16xf32, #tpu.memory_space<vmem>>)
      %dma_wait3A_348 = arith.constant 12 : i32
      %dma_wait3A_349 = arith.constant 12 : i32
      %dma_wait3A_350 = arith.constant 0 : i32
      %dma_wait3A_351 = arith.constant 0 : i32
      %dma_wait3A_352 = tpu.memref_slice %arg6[%dma_wait3A_349, %dma_wait3A_350, %dma_wait3A_351] : memref<16x50x16xf32, #tpu.memory_space<vmem>> -> memref<1x50x16xf32, #tpu.memory_space<vmem>>
      %dma_wait3A_353 = tpu.memref_squeeze %dma_wait3A_352 : memref<1x50x16xf32, #tpu.memory_space<vmem>> -> memref<50x16xf32, #tpu.memory_space<vmem>>
      %dma_wait3A_354 = arith.constant 0 : i32
      %dma_wait3A_355 = tpu.memref_slice %arg5[%dma_wait3A_348, %dma_wait3A_354] : memref<16x50xi32, #tpu.memory_space<vmem>> -> memref<1x50xi32, #tpu.memory_space<vmem>>
      %dma_wait3A_356 = tpu.memref_squeeze %dma_wait3A_355 : memref<1x50xi32, #tpu.memory_space<vmem>> -> memref<50xi32, #tpu.memory_space<vmem>>
      %dma_wait3A_357 = arith.constant 0 : i32
      %dma_wait3A_358 = arith.constant 0 : i32
      %dma_wait3A_359 = tpu.memref_slice %arg3[%dma_wait3A_357, %dma_wait3A_358] : memref<1000000x16xf32, #tpu.memory_space<hbm>> -> memref<1000000x16xf32, #tpu.memory_space<hbm>>
      tpu.wait_indirect_dma semaphore(%arg7 : memref<!tpu.dma_semaphore, #tpu.memory_space<semaphore_mem>>) src(%dma_wait3A_359 : memref<1000000x16xf32, #tpu.memory_space<hbm>>) dst(%dma_wait3A_353 : memref<50x16xf32, #tpu.memory_space<vmem>>)
      %dma_wait3A_360 = arith.constant 13 : i32
      %dma_wait3A_361 = arith.constant 13 : i32
      %dma_wait3A_362 = arith.constant 0 : i32
      %dma_wait3A_363 = arith.constant 0 : i32
      %dma_wait3A_364 = tpu.memref_slice %arg6[%dma_wait3A_361, %dma_wait3A_362, %dma_wait3A_363] : memref<16x50x16xf32, #tpu.memory_space<vmem>> -> memref<1x50x16xf32, #tpu.memory_space<vmem>>
      %dma_wait3A_365 = tpu.memref_squeeze %dma_wait3A_364 : memref<1x50x16xf32, #tpu.memory_space<vmem>> -> memref<50x16xf32, #tpu.memory_space<vmem>>
      %dma_wait3A_366 = arith.constant 0 : i32
      %dma_wait3A_367 = tpu.memref_slice %arg5[%dma_wait3A_360, %dma_wait3A_366] : memref<16x50xi32, #tpu.memory_space<vmem>> -> memref<1x50xi32, #tpu.memory_space<vmem>>
      %dma_wait3A_368 = tpu.memref_squeeze %dma_wait3A_367 : memref<1x50xi32, #tpu.memory_space<vmem>> -> memref<50xi32, #tpu.memory_space<vmem>>
      %dma_wait3A_369 = arith.constant 0 : i32
      %dma_wait3A_370 = arith.constant 0 : i32
      %dma_wait3A_371 = tpu.memref_slice %arg3[%dma_wait3A_369, %dma_wait3A_370] : memref<1000000x16xf32, #tpu.memory_space<hbm>> -> memref<1000000x16xf32, #tpu.memory_space<hbm>>
      tpu.wait_indirect_dma semaphore(%arg7 : memref<!tpu.dma_semaphore, #tpu.memory_space<semaphore_mem>>) src(%dma_wait3A_371 : memref<1000000x16xf32, #tpu.memory_space<hbm>>) dst(%dma_wait3A_365 : memref<50x16xf32, #tpu.memory_space<vmem>>)
      %dma_wait3A_372 = arith.constant 14 : i32
      %dma_wait3A_373 = arith.constant 14 : i32
      %dma_wait3A_374 = arith.constant 0 : i32
      %dma_wait3A_375 = arith.constant 0 : i32
      %dma_wait3A_376 = tpu.memref_slice %arg6[%dma_wait3A_373, %dma_wait3A_374, %dma_wait3A_375] : memref<16x50x16xf32, #tpu.memory_space<vmem>> -> memref<1x50x16xf32, #tpu.memory_space<vmem>>
      %dma_wait3A_377 = tpu.memref_squeeze %dma_wait3A_376 : memref<1x50x16xf32, #tpu.memory_space<vmem>> -> memref<50x16xf32, #tpu.memory_space<vmem>>
      %dma_wait3A_378 = arith.constant 0 : i32
      %dma_wait3A_379 = tpu.memref_slice %arg5[%dma_wait3A_372, %dma_wait3A_378] : memref<16x50xi32, #tpu.memory_space<vmem>> -> memref<1x50xi32, #tpu.memory_space<vmem>>
      %dma_wait3A_380 = tpu.memref_squeeze %dma_wait3A_379 : memref<1x50xi32, #tpu.memory_space<vmem>> -> memref<50xi32, #tpu.memory_space<vmem>>
      %dma_wait3A_381 = arith.constant 0 : i32
      %dma_wait3A_382 = arith.constant 0 : i32
      %dma_wait3A_383 = tpu.memref_slice %arg3[%dma_wait3A_381, %dma_wait3A_382] : memref<1000000x16xf32, #tpu.memory_space<hbm>> -> memref<1000000x16xf32, #tpu.memory_space<hbm>>
      tpu.wait_indirect_dma semaphore(%arg7 : memref<!tpu.dma_semaphore, #tpu.memory_space<semaphore_mem>>) src(%dma_wait3A_383 : memref<1000000x16xf32, #tpu.memory_space<hbm>>) dst(%dma_wait3A_377 : memref<50x16xf32, #tpu.memory_space<vmem>>)
      %dma_wait3A_384 = arith.constant 15 : i32
      %dma_wait3A_385 = arith.constant 15 : i32
      %dma_wait3A_386 = arith.constant 0 : i32
      %dma_wait3A_387 = arith.constant 0 : i32
      %dma_wait3A_388 = tpu.memref_slice %arg6[%dma_wait3A_385, %dma_wait3A_386, %dma_wait3A_387] : memref<16x50x16xf32, #tpu.memory_space<vmem>> -> memref<1x50x16xf32, #tpu.memory_space<vmem>>
      %dma_wait3A_389 = tpu.memref_squeeze %dma_wait3A_388 : memref<1x50x16xf32, #tpu.memory_space<vmem>> -> memref<50x16xf32, #tpu.memory_space<vmem>>
      %dma_wait3A_390 = arith.constant 0 : i32
      %dma_wait3A_391 = tpu.memref_slice %arg5[%dma_wait3A_384, %dma_wait3A_390] : memref<16x50xi32, #tpu.memory_space<vmem>> -> memref<1x50xi32, #tpu.memory_space<vmem>>
      %dma_wait3A_392 = tpu.memref_squeeze %dma_wait3A_391 : memref<1x50xi32, #tpu.memory_space<vmem>> -> memref<50xi32, #tpu.memory_space<vmem>>
      %dma_wait3A_393 = arith.constant 0 : i32
      %dma_wait3A_394 = arith.constant 0 : i32
      %dma_wait3A_395 = tpu.memref_slice %arg3[%dma_wait3A_393, %dma_wait3A_394] : memref<1000000x16xf32, #tpu.memory_space<hbm>> -> memref<1000000x16xf32, #tpu.memory_space<hbm>>
      tpu.wait_indirect_dma semaphore(%arg7 : memref<!tpu.dma_semaphore, #tpu.memory_space<semaphore_mem>>) src(%dma_wait3A_395 : memref<1000000x16xf32, #tpu.memory_space<hbm>>) dst(%dma_wait3A_389 : memref<50x16xf32, #tpu.memory_space<vmem>>)
      "tpu.region"() ({
        %run_scoped3A = tpu.sem_alloc : memref<!tpu.dma_semaphore, #tpu.memory_space<semaphore_mem>>
        %dma_start3A_397 = arith.constant 0 : i32
        %dma_start3A_398 = arith.constant 0 : i32
        %dma_start3A_399 = tpu.memref_slice %arg4[%add3A_13, %dma_start3A_397, %dma_start3A_398] : memref<16384x50x16xf32, #tpu.memory_space<hbm>> -> memref<16x50x16xf32, #tpu.memory_space<hbm>>
        %dma_start3A_400 = arith.constant 0 : i32
        %dma_start3A_401 = arith.constant 0 : i32
        %dma_start3A_402 = tpu.memref_slice %arg4[%add3A_13, %dma_start3A_400, %dma_start3A_401] : memref<16384x50x16xf32, #tpu.memory_space<hbm>> -> memref<16x50x16xf32, #tpu.memory_space<hbm>>
        tpu.enqueue_dma source(%arg6 : memref<16x50x16xf32, #tpu.memory_space<vmem>>) target(%dma_start3A_402 : memref<16x50x16xf32, #tpu.memory_space<hbm>>) target_semaphore(%run_scoped3A : memref<!tpu.dma_semaphore, #tpu.memory_space<semaphore_mem>>)
        %dma_wait3A_403 = arith.constant 0 : i32
        %dma_wait3A_404 = arith.constant 0 : i32
        %dma_wait3A_405 = tpu.memref_slice %arg4[%add3A_13, %dma_wait3A_403, %dma_wait3A_404] : memref<16384x50x16xf32, #tpu.memory_space<hbm>> -> memref<16x50x16xf32, #tpu.memory_space<hbm>>
        %dma_wait3A_406 = arith.constant 0 : i32
        %dma_wait3A_407 = arith.constant 0 : i32
        %dma_wait3A_408 = tpu.memref_slice %arg4[%add3A_13, %dma_wait3A_406, %dma_wait3A_407] : memref<16384x50x16xf32, #tpu.memory_space<hbm>> -> memref<16x50x16xf32, #tpu.memory_space<hbm>>
        tpu.wait_dma2 semaphore(%run_scoped3A : memref<!tpu.dma_semaphore, #tpu.memory_space<semaphore_mem>>) src(%arg6 : memref<16x50x16xf32, #tpu.memory_space<vmem>>) dst(%dma_wait3A_408 : memref<16x50x16xf32, #tpu.memory_space<hbm>>)
        tpu.yield
      }) : () -> ()
      %scan3A_396 = arith.constant 0 : i32
      scf.yield %scan3A_396 : i32
    }
    %scan3A_6 = arith.constant 32 : i32
    return
  }
}

</mosaic_0001>

<sc_bundles>
// kernel: kernel.3.cloned.1.call-start
scs
__scs_entry_jumppad:
0x0: {  	(pc) =	sbr.rel $0x88, $3  }
0x1: {  	(tag) =	ssettag $0x0;
	lr =	simm.s32 $0x1  }
0x2: {  	[smem:$0x3F9F] =	sst lr;
	_ =	strace $0xD0000000  }
0x3: {  	_ = 	snop  }
0x4: {  	_ = 	snop  }
0x5: {  	_ = 	snop  }
0x6: {  	_ = 	snop  }
0x7: {  	_ = 	snop  }
__scs_overlays_trampoline_lowered:
0x8: {  	[smem:$0x3FAE] =	sst s0  }
0x9: {  	[smem:$0x3FAF] =	sst s1  }
0xa: {  	[smem:$0x3FB0] =	sst s2  }
0xb: {  	[smem:$0x3FB1] =	sst s3  }
0xc: {  	[smem:$0x3FB2] =	sst s4  }
0xd: {  	[smem:$0x3FB3] =	sst s5  }
0xe: {  	[smem:$0x3FB4] =	sst s6  }
0xf: {  	[smem:$0x3FB5] =	sst s7  }
0x10: {  	[smem:$0x3FB6] =	sst s8  }
0x11: {  	[smem:$0x3FB7] =	sst s9;
	s0 =	simm.s32 @!p0 $0x0  }
0x12: {  	s1 =	sld [smem:$0x3F9D];
	s0 =	simm.s32 @p0 $0x1  }
0x13: {  	[smem:$0x3FB8] =	sst s0;
	s0 =	simm.s32 @!p1 $0x0  }
0x14: {  	s2 =	sld [smem:$0x3F9C];
	s0 =	simm.s32 @p1 $0x1  }
0x15: {  	[smem:$0x3FB9] =	sst s0;
	s0 =	simm.s32 @!p2 $0x0  }
0x16: {  	s3 =	sld [smem:$0x3FDB];
	s0 =	simm.s32 @p2 $0x1  }
0x17: {  	s4 =	simm.s32 $0x1BF5;
	[smem:$0x3FBB] =	sst s0  }
0x18: {  	s0 =	sld [smem:$0x3F9E];
	_ =	swait.ge [sflag:s4], $0x0  }
0x19: {  	s7 =	sld [smem:$0x3F9F]  }
0x1a: {  	s8 =	sadd.s32 $0xFFFFE003, lr  }
0x1b: {  	s9 =	sadd.s32 $0xFFFFFEF7, lr;
	s5 =	simm.s32 $0xFFFFFFFF;
	p2 =	slt.u32 s8, $0xFFFFF086  }
0x1c: {  	p1 =	slt.u32 s9, $0xF7A;
	s5 =	simm.s32 @!p2 $0x0  }
0x1d: {  	s5 =	simm.s32 @p1 $0x1;
	p0 =	seq.s32 s7, s2  }
0x1e: {  	s7 =	smul.u32 @!p0 $0xF7A, s2;
	p2 =	seq.s32 @!p0 s5, $0x0  }
0x1f: {  	s9 =	smul.u32 $0xF7A, s1;
	s8 =	simm.s32 @!p0 $0x1BF5;
	p2 =	por !p2, p0  }
0x20: {  	[sflag:s8] =	ssyncset.s32 @!p0 $0xFFFFF086;
	s6 =	sadd.s32 @!p0 s3, s7;
	s7 =	simm.s32 @!p0 $0x108  }
0x21: {  	s3 =	sadd.s32 s3, s9;
	s6 =	sadd.s32 @!p0 $0x88, s6;
	s7 =	simm.s32 @p2 $0x1082  }
0x22: {  	[simem:s7], [sflag:s8] =	dma.local @!p0 [hbm:s6], $0xF7A  }
0x23: {  	s9 =	sor.u32 $0xD0000000, s2;
	s6 =	simm.s32 $0x108;
	_ =	swait.ge @!p0 [sflag:s8], $0x0  }
0x24: {  	s3 =	sadd.s32 $0x88, s3;
	s6 =	simm.s32 @!p1 $0x1082;
	[sflag:s4] =	ssyncset.s32 $0xFFFFF086  }
0x25: {  	[simem:s6], [sflag:s4] =	dma.local [hbm:s3], $0xF7A  }
0x26: {  	[smem:$0x3F9F] =	sst s1;
	(tag) =	ssettag s2;
	_ =	strace s9  }
0x27: {  	s1 =	sld [smem:$0x3FAF]  }
0x28: {  	s2 =	sld [smem:$0x3FB0]  }
0x29: {  	s4 =	sld [smem:$0x3FB2]  }
0x2a: {  	p0 =	seq.s32 s5, $0x0;
	s5 =	sld [smem:$0x3FB3]  }
0x2b: {  	s6 =	sld [smem:$0x3FB4]  }
0x2c: {  	s7 =	sld [smem:$0x3FB5]  }
0x2d: {  	s3 =	simm.s32 $0x108;
	s8 =	sld [smem:$0x3FB6]  }
0x2e: {  	s3 =	simm.s32 @!p0 $0x1082;
	s9 =	sld [smem:$0x3FB7]  }
0x2f: {  	lr =	sadd.s32 s0, s3;
	s0 =	sld [smem:$0x3FAE]  }
0x30: {  	s3 =	sld [smem:$0x3FB1]  }
0x31: {  	[smem:$0x3FBA] =	sst s10  }
0x32: {  	s10 =	sld [smem:$0x3FB8];
	_ =	sdelay $0x3  }
0x33: {  	p0 =	seq.s32 s10, $0x1;
	s10 =	sld [smem:$0x3FBA];
	_ =	sdelay $0x3  }
0x34: {  	[smem:$0x3FBA] =	sst s10  }
0x35: {  	s10 =	sld [smem:$0x3FB9];
	_ =	sdelay $0x3  }
0x36: {  	p1 =	seq.s32 s10, $0x1;
	s10 =	sld [smem:$0x3FBA];
	_ =	sdelay $0x3  }
0x37: {  	[smem:$0x3FBA] =	sst s10  }
0x38: {  	s10 =	sld [smem:$0x3FBB]  }
0x39: {  	_ = 	snop;
	(pc) =	sbr.ind lr, $3  }
0x3a: {  	_ = 	snop  }
0x3b: {  	_ = 	snop  }
0x3c: {  	p2 =	seq.s32 s10, $0x1;
	s10 =	sld [smem:$0x3FBA]  }
0x3d: {  	_ =	shalt  }
0x3e: {  	_ =	shalt  }
0x3f: {  	_ =	shalt  }
0x40: {  	_ =	shalt  }
0x41: {  	_ =	shalt  }
0x42: {  	_ =	shalt  }
0x43: {  	_ =	shalt  }
0x44: {  	_ =	shalt  }
0x45: {  	_ =	shalt  }
0x46: {  	_ =	shalt  }
0x47: {  	_ =	shalt  }
0x48: {  	_ =	shalt  }
0x49: {  	_ =	shalt  }
0x4a: {  	_ =	shalt  }
0x4b: {  	_ =	shalt  }
0x4c: {  	_ =	shalt  }
0x4d: {  	_ =	shalt  }
0x4e: {  	_ =	shalt  }
0x4f: {  	_ =	shalt  }
0x50: {  	_ =	shalt  }
0x51: {  	_ =	shalt  }
0x52: {  	_ =	shalt  }
0x53: {  	_ =	shalt  }
0x54: {  	_ =	shalt  }
0x55: {  	_ =	shalt  }
0x56: {  	_ =	shalt  }
0x57: {  	_ =	shalt  }
0x58: {  	_ =	shalt  }
0x59: {  	_ =	shalt  }
0x5a: {  	_ =	shalt  }
0x5b: {  	_ =	shalt  }
0x5c: {  	_ =	shalt  }
0x5d: {  	_ =	shalt  }
0x5e: {  	_ =	shalt  }
0x5f: {  	_ =	shalt  }
0x60: {  	_ =	shalt  }
0x61: {  	_ =	shalt  }
0x62: {  	_ =	shalt  }
0x63: {  	_ =	shalt  }
0x64: {  	_ =	shalt  }
0x65: {  	_ =	shalt  }
0x66: {  	_ =	shalt  }
0x67: {  	_ =	shalt  }
0x68: {  	_ =	shalt  }
0x69: {  	_ =	shalt  }
0x6a: {  	_ =	shalt  }
0x6b: {  	_ =	shalt  }
0x6c: {  	_ =	shalt  }
0x6d: {  	_ =	shalt  }
0x6e: {  	_ =	shalt  }
0x6f: {  	_ =	shalt  }
0x70: {  	_ =	shalt  }
0x71: {  	_ =	shalt  }
0x72: {  	_ =	shalt  }
0x73: {  	_ =	shalt  }
0x74: {  	_ =	shalt  }
0x75: {  	_ =	shalt  }
0x76: {  	_ =	shalt  }
0x77: {  	_ =	shalt  }
0x78: {  	_ =	shalt  }
0x79: {  	_ =	shalt  }
0x7a: {  	_ =	shalt  }
0x7b: {  	_ =	shalt  }
0x7c: {  	_ =	shalt  }
0x7d: {  	_ =	shalt  }
0x7e: {  	_ =	shalt  }
0x7f: {  	_ =	shalt  }
0x80: {  	_ =	shalt  }
0x81: {  	_ =	shalt  }
0x82: {  	_ =	shalt  }
0x83: {  	_ =	shalt  }
0x84: {  	_ =	shalt  }
0x85: {  	_ =	shalt  }
0x86: {  	_ =	shalt  }
0x87: {  	_ =	shalt  }
.Lfunc_end0:
.L_simem_size_0:
called_computation.2_lowered:
.L_overlay_start_0:
0x88: {  	s2 =	sld [smem:$0x3FD9]  }
0x89: {  	s3 =	sld [smem:$0x3FFE];
	_ =	sdelay $0x1  }
0x8a: {  	s1 =	srdreg.scid  }
0x8b: {  	s0 =	sand.u32 $0x1, s1  }
0x8c: {  	s17 =	sshll.u32 s0, $0xA;
	s2 =	sadd.s32 s3, s2  }
0x8d: {  	s2 =	sadd.s32 s2, s17  }
0x8e: {  	[smem:$0x3FC6] =	sst s2  }
0x8f: {  	_ = 	snop  }
0x90: {  	s2 =	sld [smem:$0x3FD0];
	(tm) =	ssettm $0x1  }
0x91: {  	s18 =	sld [smem:$0x3FFB];
	_ =	sdelay $0x3  }
0x92: {  	_ =	strace s18  }
0x93: {  	s3 =	sld [smem:$0x3FFC];
	_ =	sdelay $0x3  }
0x94: {  	_ =	strace s3  }
0x95: {  	s3 =	sld [smem:$0x3FFD];
	_ =	sdelay $0x3  }
0x96: {  	_ =	strace s3  }
0x97: {  	_ =	strace $0x8FFFFFFF  }
0x98: {  	s19 =	sld [smem:$0x3FDB];
	_ =	sdelay $0x1  }
0x99: {  	s4 =	simm.s32 $_scs_section_size  }
0x9a: {  	s5 =	simm.s32 $_size__tile_overlayer_lowered;
	s6 =	simm.s32 $_tile_overlayer_lowered  }
0x9b: {  	s22 =	simm.s32 $0x1BFF;
	s21 =	sshll.u32 s6, $0x1;
	s3 =	sadd.s32 s4, s19  }
0x9c: {  	s7 =	simm.s32 $0x0;
	s20 =	sshll.u32 s5, $0x1;
	s5 =	sadd.s32 s21, s3  }
0x9d: {  	[timem:s7], [sflag:s22] =	dma.local [hbm:s5], s20  }
0x9e: {  	_ =	swait.ge [sflag:s22], s20  }
0x9f: {  	s4 =	ssub.s32 $0x0, s20;
	[sflag:s22] =	ssyncset.done $0x0  }
0xa0: {  	[sflag:s22] =	ssyncadd.s32 s4;
	_ =	sdelay $0x1  }
0xa1: {  	s23 =	simm.s32 $0x1B8B  }
0xa2: {  	_ =	swait.ge [sflag:s23], $0x1  }
0xa3: {  	[sflag:s23] =	ssyncset.done $0x0  }
0xa4: {  	s25 =	simm.s32 $0x1B8E;
	s24 =	sld [smem:$0x3FFE];
	[sflag:s23] =	ssyncadd.s32 $0xFFFFFFFF  }
0xa5: {  	s26 =	simm.s32 $execute0_lowered;
	[smem:$0x3FD2] =	sst s25  }
0xa6: {  	s5 =	sshll.u32 s26, $0x1;
	_ =	strace $0x80000049;
	[dreg:$0x1] =	wrdreg $0xFFFFFFFF  }
0xa7: {  	s28 =	simm.s32 $_size_execute0_lowered;
	s3 =	sadd.s32 s3, s5;
	[dreg:$0x0] =	wrdreg $0x0  }
0xa8: {  	s5 =	sshll.u32 s28, $0x1;
	[dreg:$0x2] =	wrdreg s3  }
0xa9: {  	[dreg:$0x3] =	wrdreg s5  }
0xaa: {  	[dreg:$0x4] =	wrdreg $0xC0  }
0xab: {  	_ =	task [dreg:s7], $0x5FFFF  }
0xac: {  	[dreg:$0x1] =	wrdreg $0xFFFFFFFF  }
0xad: {  	[dreg:$0x0] =	wrdreg $0x60  }
0xae: {  	[dreg:$0x2] =	wrdreg s24  }
0xaf: {  	[dreg:$0x3] =	wrdreg s2  }
0xb0: {  	[dreg:$0x4] =	wrdreg $0x9  }
0xb1: {  	_ =	task.clear_ibuf [dreg:s7], $0x5FFFF;
	_ =	strace $0x90000049  }
0xb2: {  	s29 =	simm.s32 $0x9;
	_ =	strace $0x8000004B  }
0xb3: {  	_ =	swait.ge [sflag:s29], $0x1  }
0xb4: {  	[sflag:s29] =	ssyncadd.s32 $0xFFFFFFFF  }
0xb5: {  	_ =	strace $0x9000004B  }
0xb6: {  	_ =	sfence  }
0xb7: {  	s30 =	sld [smem:$0x0];
	_ =	sdelay $0x2  }
0xb8: {  	s31 =	sshll.u32 s1, $0xD;
	s1 =	sshrl.u32 s1, $0x2  }
0xb9: {  	s3 =	sand.u32 $0x4000, s31;
	s1 =	sadd.s32 s1, s30  }
0xba: {  	s0 =	sor.u32 s3, s0;
	s1 =	sshll.u32 s1, $0x11  }
0xbb: {  	s0 =	sor.u32 s1, s0  }
0xbc: {  	s0 =	sadd.s32 $0x8F2B, s0  }
0xbd: {  	[sflag:s0] =	ssyncadd.remote.s32 $0x1  }
0xbe: {  	_ =	sfence.sel $0xFFFF  }
0xbf: {  	[dreg:$0x0] =	wrdreg $0xFFFFFFFF;
	(pc) =	sbr.abs _section_cstart, $3  }
0xc0: {  	[dreg:$0x1] =	wrdreg $0xFFFFFFFF  }
0xc1: {  	_ =	task.clear_ibuf [dreg:s7], $0x2FFFF;
	_ =	strace $0x9FFFFFFF  }
0xc2: {  	(tm) =	ssettm $0x7FFFFFFF  }
0xc3: {  	_ =	shalt  }
tec
execute0_lowered:
.L_overlay_start_1:
0x0: {  	(tag) =	ssettag $0x1  }
0x1: {  	s0 =	rddreg [dreg:$0x0];
	s7 =	stileid.u32  }
0x2: {  	s1 =	srdreg.scid;
	s4 =	rddreg [dreg:$0x1]  }
0x3: {  	s2 =	simm.s32 $0x0;
	s17 =	simm.s32 $0x38;
	s18 =	simm.s32 $0x6A0  }
0x4: {  	s19 =	simm.s32 $0x70;
	s20 =	simm.s32 $0x9C0;
	s22 =	simm.s32 $0xA8  }
0x5: {  	s23 =	simm.s32 $0xCE0;
	s24 =	simm.s32 $0xE0;
	s25 =	simm.s32 $0x1000  }
0x6: {  	s26 =	simm.s32 $0x118;
	s31 =	simm.s32 $0x1320;
	[smem:$0x7FF] =	sst s2  }
0x7: {  	s8 =	simm.s32 $0x380;
	_ =	strace $0x8000004A;
	[dreg:$0x4] =	wrdreg s17  }
0x8: {  	s9 =	simm.s32 $0x150;
	s10 =	simm.s32 $0x1640;
	[dreg:$0x5] =	wrdreg s18  }
0x9: {  	s11 =	simm.s32 $0x188;
	s12 =	simm.s32 $0x1960;
	[dreg:$0x6] =	wrdreg s19  }
0xa: {  	s13 =	simm.s32 $0x1;
	s14 =	simm.s32 $0x1C0;
	[dreg:$0x7] =	wrdreg s20  }
0xb: {  	s28 =	simm.s32 $0x2F40;
	s29 =	simm.s32 $0x348;
	[dreg:$0x8] =	wrdreg s22  }
0xc: {  	s30 =	simm.s32 $0x3260;
	s3 =	smul.u32 $0x1C00, s7;
	[dreg:$0x9] =	wrdreg s23  }
0xd: {  	s1 =	sand.u32 $0x1, s1;
	s21 =	smul.u32 $0x19000, s7;
	[dreg:$0xa] =	wrdreg s24  }
0xe: {  	s7 =	simm.s32 $0x32;
	s5 =	smul.u32 $0xE00, s1;
	[dreg:$0xb] =	wrdreg s25  }
0xf: {  	s16 =	ssub.s32 $0x2, s1;
	s1 =	smul.u32 $0xC800, s1;
	[dreg:$0xc] =	wrdreg s26  }
0x10: {  	[dreg:$0xd] =	wrdreg s31;
	s17 =	simm.s32 $0x1FA0;
	s18 =	simm.s32 $0x230  }
0x11: {  	s19 =	simm.s32 $0x22C0;
	s20 =	simm.s32 $0x268;
	s22 =	simm.s32 $0x2A0  }
0x12: {  	s23 =	simm.s32 $0x2900;
	s24 =	simm.s32 $0x2D8;
	s25 =	simm.s32 $0x2C20  }
0x13: {  	s26 =	simm.s32 $0x310;
	s3 =	sadd.s32 s3, s0;
	s6 =	sshrl.u32 s16, $0x1  }
0x14: {  	s4 =	sadd.s32 s21, s4;
	s21 =	simm.s32 $0x25E0;
	s5 =	sadd.s32 s5, s3  }
0x15: {  	s3 =	sadd.s32 $0xE00, s0;
	s1 =	sadd.s32 s1, s4;
	s15 =	sadd.s32 $0x112B800, s5  }
0x16: {  	s5 =	ssub.s32 s16, s6;
	[dreg:$0xf] =	wrdreg s1;
	s6 =	simm.s32 $0x2  }
0x17: {  	s16 =	simm.s32 $0x1F8;
	[dreg:$0x3] =	wrdreg s15;
	s5 =	smax.u32 s5, $0x1  }
0x18: {  	s1 =	simm.s32 $0x0;
	s15 =	simm.s32 $0x1C80;
	[dreg:$0xe] =	wrdreg s5  }
.LBB2_1:
0x19: {  	s0 =	rddreg [dreg:$0x3]  }
0x1a: {  	[dreg:$0x10] =	wrdreg s1;
	s0 =	sadd.s32 $0x0, s0  }
0x1b: {  	[tilespmem:s2], [sflag:$0x2] =	stream.linear.gather [hbm4b:s0+s2], $0x380, $0x38;
	[tilespmem:$0x3580] =	vst v63  }
0x1c: {  	_ =	swait.ge [sflag:s6], $0x380  }
0x1d: {  	s0 =	rddreg [dreg:$0x6]  }
0x1e: {  	[sflag:s6] =	ssyncset.done $0x0;
	s31 =	rddreg [dreg:$0x4]  }
0x1f: {  	s5 =	rddreg [dreg:$0x5];
	[sflag:s6] =	ssyncadd.s32 $0xFFFFFC80  }
0x20: {  	[tilespmem:s8], [sflag:$0x1] =	stream.indirect.gather [hbm4b:s3+s7], $0x10, s2, s7, $0xb8;
	[tilespmem:$0x3580] =	vst v63  }
0x21: {  	s4 =	rddreg [dreg:$0x7]  }
0x22: {  	[tilespmem:s5], [sflag:$0x1] =	stream.indirect.gather [hbm4b:s3+s7], $0x10, s31, s7, $0xb8;
	[tilespmem:$0x3580] =	vst v63  }
0x23: {  	s5 =	rddreg [dreg:$0x8]  }
0x24: {  	s31 =	rddreg [dreg:$0x9]  }
0x25: {  	[tilespmem:s4], [sflag:$0x1] =	stream.indirect.gather [hbm4b:s3+s7], $0x10, s0, s7, $0xb8;
	[tilespmem:$0x3580] =	vst v63  }
0x26: {  	s0 =	rddreg [dreg:$0xb]  }
0x27: {  	s4 =	rddreg [dreg:$0xa]  }
0x28: {  	[tilespmem:s31], [sflag:$0x1] =	stream.indirect.gather [hbm4b:s3+s7], $0x10, s5, s7, $0xb8;
	[tilespmem:$0x3580] =	vst v63  }
0x29: {  	s5 =	rddreg [dreg:$0xd]  }
0x2a: {  	[tilespmem:s0], [sflag:$0x1] =	stream.indirect.gather [hbm4b:s3+s7], $0x10, s4, s7, $0xb8;
	[tilespmem:$0x3580] =	vst v63  }
0x2b: {  	s31 =	rddreg [dreg:$0xc]  }
0x2c: {  	[tilespmem:s5], [sflag:$0x1] =	stream.indirect.gather [hbm4b:s3+s7], $0x10, s31, s7, $0xb8;
	[tilespmem:$0x3580] =	vst v63  }
0x2d: {  	_ = 	snop  }
0x2e: {  	[tilespmem:s10], [sflag:$0x1] =	stream.indirect.gather [hbm4b:s3+s7], $0x10, s9, s7, $0xb8;
	[tilespmem:$0x3580] =	vst v63  }
0x2f: {  	_ = 	snop  }
0x30: {  	[tilespmem:s12], [sflag:$0x1] =	stream.indirect.gather [hbm4b:s3+s7], $0x10, s11, s7, $0xb8;
	[tilespmem:$0x3580] =	vst v63  }
0x31: {  	_ =	swait.ge [sflag:s13], $0x320  }
0x32: {  	[sflag:s13] =	ssyncset.done $0x0  }
0x33: {  	[sflag:s13] =	ssyncadd.s32 $0xFFFFFCE0  }
0x34: {  	_ =	swait.ge [sflag:s13], $0x320  }
0x35: {  	[sflag:s13] =	ssyncset.done $0x0  }
0x36: {  	[sflag:s13] =	ssyncadd.s32 $0xFFFFFCE0  }
0x37: {  	_ =	swait.ge [sflag:s13], $0x320  }
0x38: {  	[sflag:s13] =	ssyncset.done $0x0  }
0x39: {  	[sflag:s13] =	ssyncadd.s32 $0xFFFFFCE0  }
0x3a: {  	_ =	swait.ge [sflag:s13], $0x320  }
0x3b: {  	[sflag:s13] =	ssyncset.done $0x0  }
0x3c: {  	[sflag:s13] =	ssyncadd.s32 $0xFFFFFCE0  }
0x3d: {  	_ =	swait.ge [sflag:s13], $0x320  }
0x3e: {  	[sflag:s13] =	ssyncset.done $0x0  }
0x3f: {  	[sflag:s13] =	ssyncadd.s32 $0xFFFFFCE0  }
0x40: {  	_ =	swait.ge [sflag:s13], $0x320  }
0x41: {  	[sflag:s13] =	ssyncset.done $0x0  }
0x42: {  	[sflag:s13] =	ssyncadd.s32 $0xFFFFFCE0  }
0x43: {  	_ =	swait.ge [sflag:s13], $0x320  }
0x44: {  	[sflag:s13] =	ssyncset.done $0x0  }
0x45: {  	[sflag:s13] =	ssyncadd.s32 $0xFFFFFCE0  }
0x46: {  	_ =	swait.ge [sflag:s13], $0x320  }
0x47: {  	[sflag:s13] =	ssyncset.done $0x0  }
0x48: {  	[sflag:s13] =	ssyncadd.s32 $0xFFFFFCE0  }
0x49: {  	[tilespmem:s15], [sflag:$0x1] =	stream.indirect.gather [hbm4b:s3+s7], $0x10, s14, s7, $0xb8;
	[tilespmem:$0x3580] =	vst v63  }
0x4a: {  	_ = 	snop  }
0x4b: {  	[tilespmem:s17], [sflag:$0x1] =	stream.indirect.gather [hbm4b:s3+s7], $0x10, s16, s7, $0xb8;
	[tilespmem:$0x3580] =	vst v63  }
0x4c: {  	_ = 	snop  }
0x4d: {  	[tilespmem:s19], [sflag:$0x1] =	stream.indirect.gather [hbm4b:s3+s7], $0x10, s18, s7, $0xb8;
	[tilespmem:$0x3580] =	vst v63  }
0x4e: {  	_ = 	snop  }
0x4f: {  	[tilespmem:s21], [sflag:$0x1] =	stream.indirect.gather [hbm4b:s3+s7], $0x10, s20, s7, $0xb8;
	[tilespmem:$0x3580] =	vst v63  }
0x50: {  	_ = 	snop  }
0x51: {  	[tilespmem:s23], [sflag:$0x1] =	stream.indirect.gather [hbm4b:s3+s7], $0x10, s22, s7, $0xb8;
	[tilespmem:$0x3580] =	vst v63  }
0x52: {  	_ = 	snop  }
0x53: {  	[tilespmem:s25], [sflag:$0x1] =	stream.indirect.gather [hbm4b:s3+s7], $0x10, s24, s7, $0xb8;
	[tilespmem:$0x3580] =	vst v63  }
0x54: {  	_ = 	snop  }
0x55: {  	[tilespmem:s28], [sflag:$0x1] =	stream.indirect.gather [hbm4b:s3+s7], $0x10, s26, s7, $0xb8;
	[tilespmem:$0x3580] =	vst v63  }
0x56: {  	_ = 	snop  }
0x57: {  	[tilespmem:s30], [sflag:$0x1] =	stream.indirect.gather [hbm4b:s3+s7], $0x10, s29, s7, $0xb8;
	[tilespmem:$0x3580] =	vst v63  }
0x58: {  	_ =	swait.ge [sflag:s13], $0x320  }
0x59: {  	[sflag:s13] =	ssyncset.done $0x0  }
0x5a: {  	[sflag:s13] =	ssyncadd.s32 $0xFFFFFCE0  }
0x5b: {  	_ =	swait.ge [sflag:s13], $0x320  }
0x5c: {  	[sflag:s13] =	ssyncset.done $0x0  }
0x5d: {  	[sflag:s13] =	ssyncadd.s32 $0xFFFFFCE0  }
0x5e: {  	_ =	swait.ge [sflag:s13], $0x320  }
0x5f: {  	[sflag:s13] =	ssyncset.done $0x0  }
0x60: {  	[sflag:s13] =	ssyncadd.s32 $0xFFFFFCE0  }
0x61: {  	_ =	swait.ge [sflag:s13], $0x320  }
0x62: {  	[sflag:s13] =	ssyncset.done $0x0  }
0x63: {  	[sflag:s13] =	ssyncadd.s32 $0xFFFFFCE0  }
0x64: {  	_ =	swait.ge [sflag:s13], $0x320  }
0x65: {  	[sflag:s13] =	ssyncset.done $0x0  }
0x66: {  	[sflag:s13] =	ssyncadd.s32 $0xFFFFFCE0  }
0x67: {  	_ =	swait.ge [sflag:s13], $0x320  }
0x68: {  	[sflag:s13] =	ssyncset.done $0x0  }
0x69: {  	[sflag:s13] =	ssyncadd.s32 $0xFFFFFCE0  }
0x6a: {  	_ =	swait.ge [sflag:s13], $0x320  }
0x6b: {  	[sflag:s13] =	ssyncset.done $0x0  }
0x6c: {  	[sflag:s13] =	ssyncadd.s32 $0xFFFFFCE0  }
0x6d: {  	_ =	swait.ge [sflag:s13], $0x320  }
0x6e: {  	s0 =	rddreg [dreg:$0xf]  }
0x6f: {  	s1 =	simm.s32 $0x70;
	[sflag:s13] =	ssyncset.done $0x0;
	s5 =	smov.u32 s0  }
.LBB2_2:
0x70: {  	[sflag:s13] =	ssyncadd.s32 $0xFFFFFCE0  }
0x71: {  	[hbm4b:s0+s2] =	stream.linear.scatter [tilespmem:s8], [sflag:$0x2], $0x3200, $0x38;
	[tilespmem:$0x3580] =	vst v63  }
0x72: {  	_ =	swait.ge [sflag:s6], $0x3200  }
0x73: {  	s4 =	smov.u32 s1;
	s31 =	rddreg [dreg:$0x3];
	[sflag:s6] =	ssyncset.done $0x0  }
0x74: {  	[sflag:s6] =	ssyncadd.s32 $0xFFFFCE00;
	s4 =	sadd.s32 s4, s31  }
0x75: {  	[tilespmem:s2], [sflag:$0x2] =	stream.linear.gather [hbm4b:s4+s2], $0x380, $0x38;
	[tilespmem:$0x3580] =	vst v63  }
0x76: {  	_ =	swait.ge [sflag:s6], $0x380  }
0x77: {  	s4 =	rddreg [dreg:$0xd]  }
0x78: {  	s31 =	rddreg [dreg:$0xb]  }
0x79: {  	s9 =	rddreg [dreg:$0x8]  }
0x7a: {  	[sflag:s6] =	ssyncset.done $0x0;
	s10 =	rddreg [dreg:$0x6]  }
0x7b: {  	s11 =	rddreg [dreg:$0x4];
	[sflag:s6] =	ssyncadd.s32 $0xFFFFFC80  }
0x7c: {  	[tilespmem:s8], [sflag:$0x1] =	stream.indirect.gather [hbm4b:s3+s7], $0x10, s2, s7, $0xb8;
	[tilespmem:$0x3580] =	vst v63  }
0x7d: {  	s12 =	rddreg [dreg:$0x5]  }
0x7e: {  	[tilespmem:s12], [sflag:$0x1] =	stream.indirect.gather [hbm4b:s3+s7], $0x10, s11, s7, $0xb8;
	[tilespmem:$0x3580] =	vst v63  }
0x7f: {  	s14 =	rddreg [dreg:$0x7]  }
0x80: {  	[tilespmem:s14], [sflag:$0x1] =	stream.indirect.gather [hbm4b:s3+s7], $0x10, s10, s7, $0xb8;
	[tilespmem:$0x3580] =	vst v63  }
0x81: {  	s11 =	rddreg [dreg:$0x9]  }
0x82: {  	[tilespmem:s11], [sflag:$0x1] =	stream.indirect.gather [hbm4b:s3+s7], $0x10, s9, s7, $0xb8;
	[tilespmem:$0x3580] =	vst v63  }
0x83: {  	s10 =	rddreg [dreg:$0xa]  }
0x84: {  	[tilespmem:s31], [sflag:$0x1] =	stream.indirect.gather [hbm4b:s3+s7], $0x10, s10, s7, $0xb8;
	[tilespmem:$0x3580] =	vst v63  }
0x85: {  	s9 =	rddreg [dreg:$0xc]  }
0x86: {  	[tilespmem:s4], [sflag:$0x1] =	stream.indirect.gather [hbm4b:s3+s7], $0x10, s9, s7, $0xb8;
	[tilespmem:$0x3580] =	vst v63  }
0x87: {  	s10 =	simm.s32 $0x1640;
	s9 =	simm.s32 $0x150  }
0x88: {  	[tilespmem:s10], [sflag:$0x1] =	stream.indirect.gather [hbm4b:s3+s7], $0x10, s9, s7, $0xb8;
	[tilespmem:$0x3580] =	vst v63  }
0x89: {  	s12 =	simm.s32 $0x1960;
	s11 =	simm.s32 $0x188  }
0x8a: {  	[tilespmem:s12], [sflag:$0x1] =	stream.indirect.gather [hbm4b:s3+s7], $0x10, s11, s7, $0xb8;
	[tilespmem:$0x3580] =	vst v63  }
0x8b: {  	_ =	swait.ge [sflag:s13], $0x320  }
0x8c: {  	[sflag:s13] =	ssyncset.done $0x0  }
0x8d: {  	[sflag:s13] =	ssyncadd.s32 $0xFFFFFCE0  }
0x8e: {  	_ =	swait.ge [sflag:s13], $0x320  }
0x8f: {  	[sflag:s13] =	ssyncset.done $0x0  }
0x90: {  	[sflag:s13] =	ssyncadd.s32 $0xFFFFFCE0  }
0x91: {  	_ =	swait.ge [sflag:s13], $0x320  }
0x92: {  	[sflag:s13] =	ssyncset.done $0x0  }
0x93: {  	[sflag:s13] =	ssyncadd.s32 $0xFFFFFCE0  }
0x94: {  	_ =	swait.ge [sflag:s13], $0x320  }
0x95: {  	[sflag:s13] =	ssyncset.done $0x0  }
0x96: {  	[sflag:s13] =	ssyncadd.s32 $0xFFFFFCE0  }
0x97: {  	_ =	swait.ge [sflag:s13], $0x320  }
0x98: {  	[sflag:s13] =	ssyncset.done $0x0  }
0x99: {  	[sflag:s13] =	ssyncadd.s32 $0xFFFFFCE0  }
0x9a: {  	_ =	swait.ge [sflag:s13], $0x320  }
0x9b: {  	[sflag:s13] =	ssyncset.done $0x0  }
0x9c: {  	[sflag:s13] =	ssyncadd.s32 $0xFFFFFCE0  }
0x9d: {  	_ =	swait.ge [sflag:s13], $0x320  }
0x9e: {  	[sflag:s13] =	ssyncset.done $0x0  }
0x9f: {  	[sflag:s13] =	ssyncadd.s32 $0xFFFFFCE0  }
0xa0: {  	_ =	swait.ge [sflag:s13], $0x320  }
0xa1: {  	[sflag:s13] =	ssyncset.done $0x0  }
0xa2: {  	s14 =	simm.s32 $0x1C0;
	[sflag:s13] =	ssyncadd.s32 $0xFFFFFCE0  }
0xa3: {  	[tilespmem:s15], [sflag:$0x1] =	stream.indirect.gather [hbm4b:s3+s7], $0x10, s14, s7, $0xb8;
	[tilespmem:$0x3580] =	vst v63  }
0xa4: {  	_ = 	snop  }
0xa5: {  	[tilespmem:s17], [sflag:$0x1] =	stream.indirect.gather [hbm4b:s3+s7], $0x10, s16, s7, $0xb8;
	[tilespmem:$0x3580] =	vst v63  }
0xa6: {  	_ = 	snop  }
0xa7: {  	[tilespmem:s19], [sflag:$0x1] =	stream.indirect.gather [hbm4b:s3+s7], $0x10, s18, s7, $0xb8;
	[tilespmem:$0x3580] =	vst v63  }
0xa8: {  	_ = 	snop  }
0xa9: {  	[tilespmem:s21], [sflag:$0x1] =	stream.indirect.gather [hbm4b:s3+s7], $0x10, s20, s7, $0xb8;
	[tilespmem:$0x3580] =	vst v63  }
0xaa: {  	_ = 	snop  }
0xab: {  	[tilespmem:s23], [sflag:$0x1] =	stream.indirect.gather [hbm4b:s3+s7], $0x10, s22, s7, $0xb8;
	[tilespmem:$0x3580] =	vst v63  }
0xac: {  	_ = 	snop  }
0xad: {  	[tilespmem:s25], [sflag:$0x1] =	stream.indirect.gather [hbm4b:s3+s7], $0x10, s24, s7, $0xb8;
	[tilespmem:$0x3580] =	vst v63  }
0xae: {  	_ = 	snop  }
0xaf: {  	[tilespmem:s28], [sflag:$0x1] =	stream.indirect.gather [hbm4b:s3+s7], $0x10, s26, s7, $0xb8;
	[tilespmem:$0x3580] =	vst v63  }
0xb0: {  	_ = 	snop  }
0xb1: {  	[tilespmem:s30], [sflag:$0x1] =	stream.indirect.gather [hbm4b:s3+s7], $0x10, s29, s7, $0xb8;
	[tilespmem:$0x3580] =	vst v63  }
0xb2: {  	_ =	swait.ge [sflag:s13], $0x320  }
0xb3: {  	[sflag:s13] =	ssyncset.done $0x0  }
0xb4: {  	[sflag:s13] =	ssyncadd.s32 $0xFFFFFCE0  }
0xb5: {  	_ =	swait.ge [sflag:s13], $0x320  }
0xb6: {  	[sflag:s13] =	ssyncset.done $0x0  }
0xb7: {  	[sflag:s13] =	ssyncadd.s32 $0xFFFFFCE0  }
0xb8: {  	_ =	swait.ge [sflag:s13], $0x320  }
0xb9: {  	[sflag:s13] =	ssyncset.done $0x0  }
0xba: {  	[sflag:s13] =	ssyncadd.s32 $0xFFFFFCE0  }
0xbb: {  	_ =	swait.ge [sflag:s13], $0x320  }
0xbc: {  	[sflag:s13] =	ssyncset.done $0x0  }
0xbd: {  	[sflag:s13] =	ssyncadd.s32 $0xFFFFFCE0  }
0xbe: {  	_ =	swait.ge [sflag:s13], $0x320  }
0xbf: {  	[sflag:s13] =	ssyncset.done $0x0  }
0xc0: {  	[sflag:s13] =	ssyncadd.s32 $0xFFFFFCE0  }
0xc1: {  	_ =	swait.ge [sflag:s13], $0x320  }
0xc2: {  	[sflag:s13] =	ssyncset.done $0x0  }
0xc3: {  	p0 =	sne.s32 s1, $0xD90;
	[sflag:s13] =	ssyncadd.s32 $0xFFFFFCE0  }
.Ltmp0:
0xc4: {  	_ =	swait.ge [sflag:s13], $0x320;
	(pc) =	sbr.rel @p0 .LBB2_2-.Ltmp0, $4  }
0xc5: {  	[sflag:s13] =	ssyncset.done $0x0  }
0xc6: {  	[sflag:s13] =	ssyncadd.s32 $0xFFFFFCE0  }
0xc7: {  	s5 =	sadd.s32 $0x640, s5;
	_ =	swait.ge [sflag:s13], $0x320  }
0xc8: {  	s1 =	sadd.s32 $0x70, s1;
	s0 =	smov.u32 s5;
	[sflag:s13] =	ssyncset.done $0x0  }
0xc9: {  	[sflag:s13] =	ssyncadd.s32 $0xFFFFFCE0  }
0xca: {  	[hbm4b:s0+s2] =	stream.linear.scatter [tilespmem:s8], [sflag:$0x2], $0x3200, $0x38;
	[tilespmem:$0x3580] =	vst v63  }
0xcb: {  	_ =	swait.ge [sflag:s6], $0x3200  }
0xcc: {  	s1 =	rddreg [dreg:$0x10]  }
0xcd: {  	s31 =	rddreg [dreg:$0xe];
	s1 =	sadd.s32 $0x1, s1  }
0xce: {  	p0 =	sne.s32 s1, s31  }
.Ltmp1:
0xcf: {  	_ = 	snop;
	(pc) =	sbr.rel @p0 .LBB2_1-.Ltmp1, $3  }
0xd0: {  	_ =	sdelay $0x1  }
0xd1: {  	[sflag:s6] =	ssyncset.done $0x0  }
0xd2: {  	[sflag:s6] =	ssyncadd.s32 $0xFFFFCE00  }
0xd3: {  	_ =	sfence.sel $0x180000  }
0xd4: {  	[bflag:$0x0] =	sbarrier.arrive $0xFFFF  }
0xd5: {  	_ =	strace $0x9000004A  }
0xd6: {  	s0 =	stileid.u32;
	[bflag:$0x2] =	sbarrier.arrive $0xFFFF  }
0xd7: {  	p0 =	sne.s32 s0, $0x0;
	s0 =	rddreg [dreg:$0x2]  }
0xd8: {  	s0 =	sadd.s32 @!p0 $0x100000, s0  }
0xd9: {  	[sflag:s0] =	ssyncadd.tile.s32 @!p0 $0x1;
	_ =	shalt  }
.Lfunc_end2:
_tile_overlayer_lowered:
.L_overlay_start_2:
0xda: {  	(tag) =	ssettag $0x2  }
0xdb: {  	s0 =	rddreg [dreg:$0x0];
	s2 =	stileid.u32  }
0xdc: {  	s1 =	rddreg [dreg:$0x1];
	p0 =	sne.s32 s2, $0x0  }
0xdd: {  	s3 =	rddreg [dreg:$0x2];
	[bflag:$0x3] =	sbarrier.arrive $0xFFFF;
	s2 =	simm.s32 @!p0 $0x1C02  }
0xde: {  	[timem:s3], [sflag:s2] =	dma.local @!p0 [hbm:s0], s1  }
0xdf: {  	s0 =	simm.s32 @!p0 $0x2  }
0xe0: {  	_ =	swait.ge @!p0 [sflag:s0], s1  }
0xe1: {  	s1 =	ssub.s32 @!p0 $0x0, s1;
	[sflag:s0] =	ssyncset.done @!p0 $0x0  }
0xe2: {  	[sflag:s0] =	ssyncadd.s32 @!p0 s1  }
0xe3: {  	[bflag:$0x3] =	sbarrier.arrive $0xFFFF  }
0xe4: {  	_ =	shalt  }

// kernel: sparse-core-data-format-call.1.cloned.1.call-start
scs
called_computation.1_lowered:
.L_overlay_start_0:
0x0: {  	s1 =	sld [smem:$0x3FD9]  }
0x1: {  	s2 =	sld [smem:$0x3FFE];
	_ =	sdelay $0x1  }
0x2: {  	s3 =	srdreg.scid  }
0x3: {  	s0 =	sand.u32 $0x1, s3  }
0x4: {  	s17 =	sshll.u32 s0, $0xA;
	s1 =	sadd.s32 s2, s1  }
0x5: {  	s1 =	sadd.s32 s1, s17  }
0x6: {  	[smem:$0x3FC6] =	sst s1  }
0x7: {  	_ = 	snop  }
0x8: {  	(tm) =	ssettm $0x1  }
0x9: {  	s18 =	sld [smem:$0x3FFB];
	_ =	sdelay $0x3  }
0xa: {  	_ =	strace s18  }
0xb: {  	s1 =	sld [smem:$0x3FFC];
	_ =	sdelay $0x3  }
0xc: {  	_ =	strace s1  }
0xd: {  	s1 =	sld [smem:$0x3FFD];
	_ =	sdelay $0x3  }
0xe: {  	_ =	strace s1  }
0xf: {  	_ =	strace $0x8FFFFFFF  }
0x10: {  	s19 =	sld [smem:$0x3FDB];
	_ =	sdelay $0x1  }
0x11: {  	s20 =	simm.s32 $_scs_section_size  }
0x12: {  	s4 =	simm.s32 $_size__tile_overlayer_lowered;
	s5 =	simm.s32 $_tile_overlayer_lowered  }
0x13: {  	s23 =	simm.s32 $0x1BFF;
	s22 =	sshll.u32 s5, $0x1;
	s1 =	sadd.s32 s20, s19  }
0x14: {  	s6 =	simm.s32 $0x0;
	s21 =	sshll.u32 s4, $0x1;
	s4 =	sadd.s32 s22, s1  }
0x15: {  	[timem:s6], [sflag:s23] =	dma.local [hbm:s4], s21  }
0x16: {  	_ =	swait.ge [sflag:s23], s21  }
0x17: {  	s2 =	ssub.s32 $0x0, s21;
	[sflag:s23] =	ssyncset.done $0x0  }
0x18: {  	[sflag:s23] =	ssyncadd.s32 s2;
	_ =	sdelay $0x1  }
0x19: {  	s24 =	simm.s32 $0x1B8B  }
0x1a: {  	_ =	swait.ge [sflag:s24], $0x1  }
0x1b: {  	[sflag:s24] =	ssyncset.done $0x0  }
0x1c: {  	s26 =	simm.s32 $0x1B8E;
	s25 =	sld [smem:$0x3FFE];
	[sflag:s24] =	ssyncadd.s32 $0xFFFFFFFF  }
0x1d: {  	s27 =	simm.s32 $execute0_lowered;
	[smem:$0x3FD2] =	sst s26  }
0x1e: {  	s4 =	sshll.u32 s27, $0x1;
	_ =	strace $0x80000046;
	[dreg:$0x1] =	wrdreg $0xFFFFFFFF  }
0x1f: {  	s28 =	simm.s32 $_size_execute0_lowered;
	s1 =	sadd.s32 s1, s4;
	[dreg:$0x0] =	wrdreg $0x0  }
0x20: {  	s4 =	sshll.u32 s28, $0x1;
	[dreg:$0x2] =	wrdreg s1  }
0x21: {  	[dreg:$0x3] =	wrdreg s4  }
0x22: {  	[dreg:$0x4] =	wrdreg $0xC0  }
0x23: {  	_ =	task [dreg:s6], $0x5FFFF  }
0x24: {  	[dreg:$0x1] =	wrdreg $0xFFFFFFFF  }
0x25: {  	[dreg:$0x0] =	wrdreg $0x60  }
0x26: {  	[dreg:$0x2] =	wrdreg s25  }
0x27: {  	[dreg:$0x3] =	wrdreg $0x9  }
0x28: {  	_ =	task.clear_ibuf [dreg:s6], $0x4FFFF;
	_ =	strace $0x90000046  }
0x29: {  	s29 =	simm.s32 $0x9;
	_ =	strace $0x80000048  }
0x2a: {  	_ =	swait.ge [sflag:s29], $0x1  }
0x2b: {  	[sflag:s29] =	ssyncadd.s32 $0xFFFFFFFF  }
0x2c: {  	_ =	strace $0x90000048  }
0x2d: {  	_ =	sfence  }
0x2e: {  	s30 =	sld [smem:$0x0];
	_ =	sdelay $0x2  }
0x2f: {  	s31 =	sshll.u32 s3, $0xD;
	s3 =	sshrl.u32 s3, $0x2  }
0x30: {  	s2 =	sand.u32 $0x4000, s31;
	s1 =	sadd.s32 s3, s30  }
0x31: {  	s0 =	sor.u32 s2, s0;
	s1 =	sshll.u32 s1, $0x11  }
0x32: {  	s0 =	sor.u32 s1, s0  }
0x33: {  	s0 =	sadd.s32 $0x8F2B, s0  }
0x34: {  	[sflag:s0] =	ssyncadd.remote.s32 $0x1  }
0x35: {  	_ =	sfence.sel $0xFFFF  }
0x36: {  	[dreg:$0x0] =	wrdreg $0xFFFFFFFF;
	(pc) =	sbr.abs _section_cstart, $3  }
0x37: {  	[dreg:$0x1] =	wrdreg $0xFFFFFFFF  }
0x38: {  	_ =	task.clear_ibuf [dreg:s6], $0x2FFFF;
	_ =	strace $0x9FFFFFFF  }
0x39: {  	(tm) =	ssettm $0x7FFFFFFF  }
tec
execute0_lowered:
.L_overlay_start_1:
0x0: {  	(tag) =	ssettag $0x1  }
0x1: {  	s0 =	srdreg.scid  }
0x2: {  	s5 =	rddreg [dreg:$0x0];
	s1 =	stileid.u32;
	s4 =	simm.s32 $0x1  }
0x3: {  	s6 =	simm.s32 $0x2;
	s15 =	simm.s32 $0x0;
	p0 =	por $0x0, $0x0  }
0x4: {  	s8 =	simm.s32 $0x80;
	s14 =	simm.s32 $0x0;
	s2 =	sshll.u32 s0, $0x4  }
0x5: {  	s9 =	simm.s32 $0x0;
	s10 =	simm.s32 $0x0;
	s2 =	sand.u32 $0x10, s2  }
.Ltmp0:
0x6: {  	s12 =	simm.s32 $0x0;
	s3 =	sor.u32 s1, s2;
	(pc) =	sbr.rel .LBB1_1-.Ltmp0, $4  }
0x7: {  	s0 =	rddreg [dreg:$0x1];
	_ =	strace $0x80000047;
	s3 =	sshll.u32 s3, $0x7  }
0x8: {  	s13 =	simm.s32 $0x0;
	[sflag:s4] =	ssyncpa.u1 $0x0;
	s7 =	ssub.s32 $0xF4200, s3  }
0x9: {  	s2 =	sadd.s32 $0xE00, s5;
	[sflag:s6] =	ssyncpa.u1 $0x0;
	s6 =	sshrl.u32 s7, $0xC  }
0xa: {  	s5 =	sadd.s32 $0x1E9400, s5;
	s11 =	smov.u32 s3;
	s7 =	sadd.s32 $0x2, s6  }
.LBB1_5:
0xb: {  	p1 =	slt.u32 s13, $0x2  }
0xc: {  	s17 =	smov.u32 s15;
	p2 =	sgt.s32 @!p1 s15, $0xF41C0;
	s16 =	sshra.s32 @!p1 s15, $0x1F  }
0xd: {  	p3 =	sgt.s32 @!p1 s14, $0x70;
	s18 =	sshra.s32 @!p1 s14, $0x1F;
	p2 =	por !p2, p1  }
0xe: {  	s15 =	sand.u32 @!p1 s16, s15;
	p3 =	por !p3, p1;
	s16 =	smov.u32 s14  }
0xf: {  	s14 =	sand.u32 @!p1 s18, s14;
	s17 =	simm.s32 @p2 $0xF41C0;
	s16 =	simm.s32 @p3 $0x70  }
0x10: {  	s15 =	ssub.s32 @!p1 s17, s15;
	s14 =	ssub.s32 @!p1 s16, s14  }
0x11: {  	s18 =	smov.u32 s12;
	s16 =	sadd.s32 @!p1 $0xFFF0BE40, s15;
	s17 =	sadd.s32 @!p1 $0xFFFFFF90, s14  }
0x12: {  	s15 =	ssub.s32 @!p1 $0xF4240, s15;
	p2 =	sgt.s32 @!p1 s16, $0x7F;
	p3 =	sgt.s32 @!p1 s17, $0xF  }
0x13: {  	s14 =	ssub.s32 @!p1 $0x80, s14;
	p2 =	por !p2, p1;
	p3 =	por !p3, p1  }
0x14: {  	s16 =	sadd.s32 $0x1000, s11;
	s15 =	simm.s32 @!p2 $0x0;
	s14 =	simm.s32 @!p3 $0x0  }
0x15: {  	p2 =	sgt.s32 s16, $0xF423F;
	s14 =	smul.u32 @!p1 s14, s15;
	s15 =	sadd.s32 $0x10, s12  }
0x16: {  	s18 =	smov.u32 @p2 s15  }
0x17: {  	s16 =	smov.u32 @p2 s3;
	p2 =	sgt.s32 s18, $0xF  }
0x18: {  	s18 =	simm.s32 @p2 $0x0;
	p2 =	sne.s32 s13, s7  }
.Ltmp1:
0x19: {  	p0 =	por !p0, !p0;
	s17 =	simm.s32 @!p1 $0x2;
	(pc) =	sbr.rel @!p2 .LBB1_6-.Ltmp1, $4  }
0x1a: {  	s15 =	smov.u32 s9;
	s9 =	smov.u32 s11;
	s14 =	sand.u32 @!p1 $0x3FFFFFFF, s14  }
0x1b: {  	s11 =	smov.u32 s16;
	_ =	swait.ge @!p1 [sflag:s17], s14;
	s19 =	ssub.s32 @!p1 $0x0, s14  }
0x1c: {  	s14 =	smov.u32 s10;
	s13 =	sadd.s32 $0x1, s13;
	[sflag:s17] =	ssyncset.done @!p1 $0x0  }
0x1d: {  	s10 =	smov.u32 s12;
	s12 =	smov.u32 s18;
	[sflag:s17] =	ssyncadd.s32 @!p1 s19  }
.LBB1_1:
0x1e: {  	p1 =	sgt.u32 s13, s6  }
0x1f: {  	s16 =	sshrl.u32 @!p1 s12, $0x3  }
0x20: {  	s17 =	sshll.u32 @!p1 s11, $0x3;
	s16 =	smul.u32 @!p1 $0x7A1400, s16  }
0x21: {  	s18 =	sshll.u32 @!p1 s12, $0x7;
	s17 =	sand.u32 @!p1 $0xFFFFFC00, s17  }
0x22: {  	s16 =	sadd.s32 @!p1 s16, s17;
	s17 =	sand.u32 @!p1 $0x380, s18  }
0x23: {  	s18 =	sand.u32 @!p1 $0x7F, s11;
	s16 =	sor.u32 @!p1 s17, s16  }
0x24: {  	s17 =	sor.u32 @!p1 s18, s16  }
0x25: {  	s18 =	smulhi.u32 @!p1 $0x218D6287, s17;
	_ =	sdelay $0x1  }
0x26: {  	s16 =	smulhi.u32 @!p1 $0x218D6287, s16;
	s18 =	sshrl.u32 @!p1 s18, $0x11  }
0x27: {  	s18 =	smul.u32 @!p1 $0xF4280, s18  }
0x28: {  	s19 =	sxor.u32 @!p1 $0xFFFFFFFF, s13;
	s16 =	sshrl.u32 @!p1 s16, $0x11  }
0x29: {  	s19 =	sshll.u32 @!p1 s19, $0xB;
	s16 =	sand.u32 @!p1 $0xF, s16;
	s17 =	ssub.s32 @!p1 s17, s18  }
0x2a: {  	s16 =	smul.u32 @!p1 $0x1E850, s16;
	s18 =	sshrl.u32 @!p1 s17, $0x3;
	s17 =	sand.u32 @!p1 $0x7, s17  }
0x2b: {  	s19 =	sand.u32 @!p1 $0x800, s19;
	s18 =	sadd.s32 @!p1 s2, s18;
	s17 =	sshll.u32 @!p1 s17, $0x12  }
0x2c: {  	s16 =	sadd.s32 @!p1 s16, s18;
	s17 =	sor.u32 @!p1 $0x400, s17;
	s18 =	simm.s32 @!p1 $0x7A1400  }
0x2d: {  	[tilespmem:s19], [sflag:$0x1] =	stream.strided.gather @!p1 [hbm4b:s16+s17], $0x800, s18, s17, $0x38;
	[tilespmem:$0x2100] =	vst v63  }
0x2e: {  	p1 =	seq.s32 s13, $0x0  }
0x2f: {  	p2 =	sge.u32 @!p1 s13, s7  }
0x30: {  	p1 =	por p1, p2  }
.Ltmp2:
0x31: {  	_ = 	snop;
	(pc) =	sbr.rel @p1 .LBB1_5-.Ltmp2, $1  }
0x32: {  	_ =	sdelay $0x3  }
0x33: {  	s16 =	simm.s32 $0x1  }
0x34: {  	_ =	swait.ge [sflag:s4], $0x800;
	s16 =	simm.s32 @!p0 $0x0  }
0x35: {  	[sflag:s4] =	ssyncset.done $0x0;
	s17 =	sshll.u32 s16, $0xB  }
0x36: {  	[sflag:s4] =	ssyncadd.s32 $0xFFFFF800;
	s17 =	sor.u32 $0x40, s17  }
0x37: {  	s16 =	smul.u32 $0x2200, s16;
	v0 =	vld [tilespmem:s17+$0x30]  }
0x38: {  	v1 =	vld [tilespmem:s17+$0xFFFFFFD0]  }
0x39: {  	s16 =	sshrl.u32 s16, $0x2;
	v5 =	vld [tilespmem:s17+$0xFFFFFFE0]  }
0x3a: {  	v6 =	vld [tilespmem:s17+$0xFFFFFFF0];
	s19 =	sor.u32 $0x1000, s16  }
0x3b: {  	s31 =	sand.u32 $0x1, s13;
	v4 =	vld [tilespmem:s17+$0x0];
	s18 =	sadd.s32 $0x0, s19  }
0x3c: {  	v3 =	vld [tilespmem:s17+$0x10];
	s16 =	smul.u32 $0x2200, s31;
	[tilespmem:s18+$0x770 ss:$0x11] =	vst.msk $0xffff, v0  }
0x3d: {  	v2 =	vld [tilespmem:s17+$0x20];
	[tilespmem:s18+$0x110 ss:$0x11] =	vst.msk $0xffff, v1  }
0x3e: {  	s16 =	sshrl.u32 s16, $0x2;
	v1 =	vld [tilespmem:s17+$0xFFFFFFC0];
	[tilespmem:s18+$0x220 ss:$0x11] =	vst.msk $0xffff, v5;
	s17 =	sadd.s32 $0x80, s17  }
0x3f: {  	s20 =	simm.s32 $0x4;
	s21 =	simm.s32 $0x8;
	s16 =	sor.u32 $0x1000, s16;
	[tilespmem:s18+$0x330 ss:$0x11] =	vst.msk $0xffff, v6;
	v0 =	vld [tilespmem:s17+$0x30]  }
.LBB1_3:
0x40: {  	p1 =	sne.s32 s21, $0x3C;
	v5 =	vld [tilespmem:s17+$0xFFFFFFD0];
	[tilespmem:s18+$0x440 ss:$0x11] =	vst.msk $0xffff, v4  }
0x41: {  	v6 =	vld [tilespmem:s17+$0xFFFFFFE0];
	[tilespmem:s18+$0x550 ss:$0x11] =	vst.msk $0xffff, v3  }
0x42: {  	s22 =	sshra.s32 s20, $0x2;
	s20 =	smov.u32 s21;
	v7 =	vld [tilespmem:s17+$0xFFFFFFF0];
	[tilespmem:s18+$0x660 ss:$0x11] =	vst.msk $0xffff, v2  }
.Ltmp3:
0x43: {  	v4 =	vld [tilespmem:s17+$0x0];
	[tilespmem:s18+$0x0 ss:$0x11] =	vst.msk $0xffff, v1;
	s18 =	sadd.s32 s22, s19;
	(pc) =	sbr.rel @p1 .LBB1_3-.Ltmp3, $4  }
0x44: {  	v3 =	vld [tilespmem:s17+$0x10];
	[tilespmem:s18+$0x770 ss:$0x11] =	vst.msk $0xffff, v0  }
0x45: {  	[tilespmem:s18+$0x110 ss:$0x11] =	vst.msk $0xffff, v5;
	v2 =	vld [tilespmem:s17+$0x20]  }
0x46: {  	v1 =	vld [tilespmem:s17+$0xFFFFFFC0];
	[tilespmem:s18+$0x220 ss:$0x11] =	vst.msk $0xffff, v6;
	s17 =	sadd.s32 $0x80, s17  }
0x47: {  	s21 =	sadd.s32 $0x4, s21;
	v0 =	vld [tilespmem:s17+$0x30];
	[tilespmem:s18+$0x330 ss:$0x11] =	vst.msk $0xffff, v7  }
0x48: {  	s21 =	sshll.u32 s9, $0x7;
	s22 =	sshll.u32 s10, $0x3;
	s20 =	sshra.s32 s20, $0x2  }
0x49: {  	p1 =	sgt.s32 s9, $0xF41C0;
	s30 =	sshra.s32 s9, $0x1F;
	s25 =	sshra.s32 s10, $0x1F  }
0x4a: {  	v5 =	vld [tilespmem:s17+$0xFFFFFFD0];
	s28 =	sshrl.u32 s10, $0x3;
	s23 =	sand.u32 $0xFFFFFC00, s21;
	s22 =	sand.u32 $0xFFFFFC00, s22  }
0x4b: {  	[tilespmem:s18+$0x440 ss:$0x11] =	vst.msk $0xffff, v4;
	v58 =	vld [tilespmem:s17+$0xFFFFFFE0];
	s21 =	sand.u32 $0x380, s21;
	s19 =	sadd.s32 s20, s19;
	s22 =	sadd.s32 s22, s23  }
0x4c: {  	v59 =	vld [tilespmem:s17+$0xFFFFFFF0];
	[tilespmem:s18+$0x550 ss:$0x11] =	vst.msk $0xffff, v3;
	s29 =	sor.u32 s21, s22;
	s21 =	smov.u32 s9;
	s22 =	sand.u32 s30, s9  }
0x4d: {  	v60 =	vld [tilespmem:s17+$0x0];
	[tilespmem:s18+$0x660 ss:$0x11] =	vst.msk $0xffff, v2;
	s30 =	sand.u32 $0x7, s10;
	s20 =	sshrl.u32 s29, $0x7;
	s21 =	simm.s32 @!p1 $0xF41C0  }
0x4e: {  	v61 =	vld [tilespmem:s17+$0x10];
	[tilespmem:s18+$0x0 ss:$0x11] =	vst.msk $0xffff, v1;
	p1 =	sgt.s32 s10, $0x70;
	s24 =	ssub.s32 s21, s22;
	s21 =	smov.u32 s10  }
0x4f: {  	v62 =	vld [tilespmem:s17+$0x20];
	[tilespmem:s19+$0x770 ss:$0x11] =	vst.msk $0xffff, v0;
	s31 =	smulhi.u32 $0x218DEF5, s20;
	s22 =	sand.u32 s25, s10;
	s21 =	simm.s32 @!p1 $0x70  }
0x50: {  	v63 =	vld [tilespmem:s17+$0xFFFFFFC0];
	[tilespmem:s19+$0x110 ss:$0x11] =	vst.msk $0xffff, v5;
	s26 =	sadd.s32 $0xFFF0BE40, s24;
	s17 =	ssub.s32 $0xF4240, s24;
	s21 =	ssub.s32 s21, s22  }
0x51: {  	[tilespmem:s19+$0x220 ss:$0x11] =	vst.msk $0xffff, v58;
	s23 =	sshrl.u32 s31, $0xD;
	p1 =	sgt.s32 s26, $0x7F;
	s27 =	sadd.s32 $0xFFFFFF90, s21  }
0x52: {  	[tilespmem:s19+$0x330 ss:$0x11] =	vst.msk $0xffff, v59;
	s23 =	smul.u32 $0xF4240, s23;
	s18 =	ssub.s32 $0x80, s21;
	p2 =	sgt.s32 s27, $0xF  }
.Ltmp4:
0x53: {  	[tilespmem:s19+$0x440 ss:$0x11] =	vst.msk $0xffff, v60;
	s17 =	simm.s32 @p1 $0x0;
	s18 =	simm.s32 @p2 $0x0;
	(pc) =	sbr.rel .LBB1_5-.Ltmp4, $4  }
0x54: {  	s29 =	sand.u32 $0xF, s28;
	[tilespmem:s19+$0x550 ss:$0x11] =	vst.msk $0xffff, v61;
	s20 =	ssub.s32 s20, s23;
	s17 =	smul.u32 s18, s17  }
0x55: {  	[tilespmem:s19+$0x660 ss:$0x11] =	vst.msk $0xffff, v62;
	s21 =	sshll.u32 s30, $0x12;
	s20 =	sshll.u32 s20, $0x4;
	s18 =	sadd.s32 s5, s29  }
0x56: {  	[tilespmem:s19+$0x0 ss:$0x11] =	vst.msk $0xffff, v63;
	s31 =	sor.u32 $0x10, s21;
	s18 =	sadd.s32 s20, s18;
	s17 =	sand.u32 $0x3FFFFFFF, s17  }
0x57: {  	[hbm4b:s18+s31] =	stream.strided.scatter [tilespmem:s16], [sflag:$0x2], s17, s8, s31, $0x8;
	[tilespmem:$0x2100] =	vst v63  }
.LBB1_6:
0x58: {  	_ =	sfence.sel $0x180000  }
0x59: {  	s2 =	simm.s32 $0x1;
	[bflag:$0x0] =	sbarrier.arrive $0xFFFF  }
0x5a: {  	s31 =	simm.s32 $0x2;
	[sflag:s2] =	ssyncpa.u1 $0x1  }
0x5b: {  	[sflag:s31] =	ssyncpa.u1 $0x1  }
0x5c: {  	p0 =	sne.s32 s1, $0x0;
	_ =	strace $0x90000047  }
0x5d: {  	s0 =	sadd.s32 @!p0 $0x100000, s0;
	[bflag:$0x2] =	sbarrier.arrive $0xFFFF  }
0x5e: {  	[sflag:s0] =	ssyncadd.tile.s32 @!p0 $0x1;
	_ =	shalt  }
.Lfunc_end1:
_tile_overlayer_lowered:
.L_overlay_start_2:
0x5f: {  	(tag) =	ssettag $0x2  }
0x60: {  	s0 =	rddreg [dreg:$0x0];
	s2 =	stileid.u32  }
0x61: {  	s1 =	rddreg [dreg:$0x1];
	p0 =	sne.s32 s2, $0x0  }
0x62: {  	s3 =	rddreg [dreg:$0x2];
	[bflag:$0x3] =	sbarrier.arrive $0xFFFF;
	s2 =	simm.s32 @!p0 $0x1C01  }
0x63: {  	[timem:s3], [sflag:s2] =	dma.local @!p0 [hbm:s0], s1  }
0x64: {  	s0 =	simm.s32 @!p0 $0x1  }
0x65: {  	_ =	swait.ge @!p0 [sflag:s0], s1  }
0x66: {  	s1 =	ssub.s32 @!p0 $0x0, s1;
	[sflag:s0] =	ssyncset.done @!p0 $0x0  }
0x67: {  	[sflag:s0] =	ssyncadd.s32 @!p0 s1  }
0x68: {  	[bflag:$0x3] =	sbarrier.arrive $0xFFFF  }
0x69: {  	_ =	shalt  }

// kernel: sparse-core-data-format-call.cloned.1.call-start
scs
called_computation_lowered:
.L_overlay_start_0:
0x0: {  	s2 =	sld [smem:$0x3FD9]  }
0x1: {  	s3 =	sld [smem:$0x3FFE];
	_ =	sdelay $0x1  }
0x2: {  	s1 =	srdreg.scid  }
0x3: {  	s0 =	sand.u32 $0x1, s1  }
0x4: {  	s18 =	sshll.u32 s0, $0xA;
	s2 =	sadd.s32 s3, s2  }
0x5: {  	s2 =	sadd.s32 s2, s18  }
0x6: {  	[smem:$0x3FC6] =	sst s2  }
0x7: {  	_ = 	snop  }
0x8: {  	s2 =	sld [smem:$0x3FD0];
	(tm) =	ssettm $0x1  }
0x9: {  	s19 =	sld [smem:$0x3FFB];
	_ =	sdelay $0x3  }
0xa: {  	_ =	strace s19  }
0xb: {  	s3 =	sld [smem:$0x3FFC];
	_ =	sdelay $0x3  }
0xc: {  	_ =	strace s3  }
0xd: {  	s3 =	sld [smem:$0x3FFD];
	_ =	sdelay $0x3  }
0xe: {  	_ =	strace s3  }
0xf: {  	_ =	strace $0x8FFFFFFF  }
0x10: {  	s20 =	sld [smem:$0x3FDB];
	_ =	sdelay $0x1  }
0x11: {  	s4 =	simm.s32 $_scs_section_size  }
0x12: {  	s5 =	simm.s32 $_size__tile_overlayer_lowered;
	s6 =	simm.s32 $_tile_overlayer_lowered  }
0x13: {  	s23 =	simm.s32 $0x1BFF;
	s22 =	sshll.u32 s6, $0x1;
	s3 =	sadd.s32 s4, s20  }
0x14: {  	s7 =	simm.s32 $0x0;
	s21 =	sshll.u32 s5, $0x1;
	s5 =	sadd.s32 s22, s3  }
0x15: {  	[timem:s7], [sflag:s23] =	dma.local [hbm:s5], s21  }
0x16: {  	_ =	swait.ge [sflag:s23], s21  }
0x17: {  	s4 =	ssub.s32 $0x0, s21;
	[sflag:s23] =	ssyncset.done $0x0  }
0x18: {  	[sflag:s23] =	ssyncadd.s32 s4;
	_ =	sdelay $0x1  }
0x19: {  	s24 =	simm.s32 $0x1B8B  }
0x1a: {  	_ =	swait.ge [sflag:s24], $0x1  }
0x1b: {  	[sflag:s24] =	ssyncset.done $0x0  }
0x1c: {  	s26 =	simm.s32 $0x1B8E;
	s25 =	sld [smem:$0x3FFE];
	[sflag:s24] =	ssyncadd.s32 $0xFFFFFFFF  }
0x1d: {  	s27 =	simm.s32 $execute0_lowered;
	[smem:$0x3FD2] =	sst s26  }
0x1e: {  	s5 =	sshll.u32 s27, $0x1;
	_ =	strace $0x8000004C;
	[dreg:$0x1] =	wrdreg $0xFFFFFFFF  }
0x1f: {  	s28 =	simm.s32 $_size_execute0_lowered;
	s3 =	sadd.s32 s3, s5;
	[dreg:$0x0] =	wrdreg $0x0  }
0x20: {  	s5 =	sshll.u32 s28, $0x1;
	[dreg:$0x2] =	wrdreg s3  }
0x21: {  	[dreg:$0x3] =	wrdreg s5  }
0x22: {  	[dreg:$0x4] =	wrdreg $0xC0  }
0x23: {  	_ =	task [dreg:s7], $0x5FFFF  }
0x24: {  	[dreg:$0x1] =	wrdreg $0xFFFFFFFF  }
0x25: {  	[dreg:$0x0] =	wrdreg $0x60  }
0x26: {  	[dreg:$0x2] =	wrdreg s25  }
0x27: {  	[dreg:$0x3] =	wrdreg s2  }
0x28: {  	[dreg:$0x4] =	wrdreg $0x9  }
0x29: {  	_ =	task.clear_ibuf [dreg:s7], $0x5FFFF;
	_ =	strace $0x9000004C  }
0x2a: {  	s29 =	simm.s32 $0x9;
	_ =	strace $0x8000004E  }
0x2b: {  	_ =	swait.ge [sflag:s29], $0x1  }
0x2c: {  	[sflag:s29] =	ssyncadd.s32 $0xFFFFFFFF  }
0x2d: {  	_ =	strace $0x9000004E  }
0x2e: {  	_ =	sfence  }
0x2f: {  	s30 =	sld [smem:$0x0];
	_ =	sdelay $0x2  }
0x30: {  	s31 =	sshll.u32 s1, $0xD;
	s1 =	sshrl.u32 s1, $0x2  }
0x31: {  	s3 =	sand.u32 $0x4000, s31;
	s1 =	sadd.s32 s1, s30  }
0x32: {  	s0 =	sor.u32 s3, s0;
	s1 =	sshll.u32 s1, $0x11  }
0x33: {  	s0 =	sor.u32 s1, s0  }
0x34: {  	s0 =	sadd.s32 $0x8F2B, s0  }
0x35: {  	[sflag:s0] =	ssyncadd.remote.s32 $0x1  }
0x36: {  	_ =	sfence.sel $0xFFFF  }
0x37: {  	[dreg:$0x0] =	wrdreg $0xFFFFFFFF;
	(pc) =	sbr.abs _section_cstart, $3  }
0x38: {  	[dreg:$0x1] =	wrdreg $0xFFFFFFFF  }
0x39: {  	_ =	task.clear_ibuf [dreg:s7], $0x2FFFF;
	_ =	strace $0x9FFFFFFF  }
0x3a: {  	(tm) =	ssettm $0x7FFFFFFF  }
0x3b: {  	_ =	shalt  }
tec
execute0_lowered:
.L_overlay_start_1:
0x0: {  	(tag) =	ssettag $0x1  }
0x1: {  	s0 =	srdreg.scid  }
0x2: {  	s1 =	sshll.u32 s0, $0x4  }
0x3: {  	s0 =	stileid.u32;
	s1 =	sand.u32 $0x10, s1  }
0x4: {  	s1 =	sor.u32 s0, s1  }
0x5: {  	s6 =	rddreg [dreg:$0x0];
	s4 =	simm.s32 $0x1;
	s2 =	sshll.u32 s1, $0x7  }
0x6: {  	s7 =	simm.s32 $0x2;
	s12 =	simm.s32 $0x0;
	s1 =	ssub.s32 $0x4000, s2  }
0x7: {  	s8 =	simm.s32 $0x20000;
	s13 =	simm.s32 $0x0;
	s3 =	sand.u32 $0xF80, s1  }
0x8: {  	s9 =	simm.s32 $0x0;
	s5 =	sshrl.u32 s1, $0xC;
	p0 =	sne.s32 s3, $0x0  }
.Ltmp0:
0x9: {  	s1 =	rddreg [dreg:$0x2];
	s4 =	simm.s32 @!p0 $0x0;
	(pc) =	sbr.rel .LBB1_1-.Ltmp0, $4  }
0xa: {  	s11 =	simm.s32 $0x0;
	s3 =	rddreg [dreg:$0x1];
	s5 =	sadd.s32 s4, s5  }
0xb: {  	_ =	strace $0x8000004D;
	s4 =	simm.s32 $0x1;
	s5 =	smul.u32 $0x32, s5  }
0xc: {  	s6 =	sadd.s32 $0xE00, s6;
	s10 =	smov.u32 s2;
	[sflag:s4] =	ssyncpa.u1 $0x0  }
0xd: {  	p0 =	por $0x0, $0x0;
	[sflag:s7] =	ssyncpa.u1 $0x0;
	s7 =	sor.u32 $0x1, s5  }
.LBB1_4:
0xe: {  	s16 =	sshll.u32 s13, $0x3;
	s17 =	sand.u32 $0x78, s13  }
0xf: {  	s30 =	sand.u32 $0x7800, s13;
	s12 =	sshll.u32 s12, $0xF;
	s16 =	sand.u32 $0x3C00, s16  }
0x10: {  	s31 =	sand.u32 $0x7, s13;
	s16 =	sor.u32 s17, s16;
	s17 =	sadd.s32 s3, s30  }
0x11: {  	s13 =	sshll.u32 s31, $0x12;
	s16 =	sshrl.u32 s16, $0x3;
	s12 =	sadd.s32 s12, s17  }
0x12: {  	[tilespmem:s15+$0x0 ss:$0x81] =	vst.msk $0xffff, v1;
	s13 =	sor.u32 $0x400, s13;
	s12 =	sadd.s32 s16, s12  }
0x13: {  	[hbm4b:s12+s13] =	stream.strided.scatter [tilespmem:s14], [sflag:$0x2], $0x800, s8, s13, $0x20;
	[tilespmem:$0x2020] =	vst v63  }
.LBB1_5:
0x14: {  	s14 =	sadd.s32 $0x1, s9  }
0x15: {  	s12 =	sadd.s32 $0x1000, s10;
	s16 =	smov.u32 s10;
	p2 =	sgt.s32 s14, $0x31  }
0x16: {  	s16 =	smov.u32 @p2 s12  }
0x17: {  	s14 =	simm.s32 @p2 $0x0;
	p2 =	sgt.s32 s16, $0x3FFF  }
0x18: {  	s16 =	smov.u32 @p2 s2;
	p2 =	sne.s32 s11, s7  }
.Ltmp1:
0x19: {  	p1 =	slt.u32 s11, $0x2;
	(pc) =	sbr.rel @!p2 .LBB1_6-.Ltmp1, $4  }
0x1a: {  	s15 =	simm.s32 @!p1 $0x2  }
0x1b: {  	s13 =	smov.u32 s10;
	p0 =	por !p0, !p0;
	_ =	swait.ge @!p1 [sflag:s15], $0x800  }
0x1c: {  	s12 =	smov.u32 s9;
	[sflag:s15] =	ssyncset.done @!p1 $0x0;
	s9 =	smov.u32 s14  }
0x1d: {  	s11 =	sadd.s32 $0x1, s11;
	[sflag:s15] =	ssyncadd.s32 @!p1 $0xFFFFF800;
	s10 =	smov.u32 s16  }
.LBB1_1:
0x1e: {  	p1 =	sge.u32 s11, s5  }
0x1f: {  	s14 =	sand.u32 @!p1 $0x1FFFFFF, s9  }
0x20: {  	s15 =	smulhi.u32 @!p1 $0x4924925, s14;
	_ =	sdelay $0x1  }
0x21: {  	s15 =	smul.u32 @!p1 $0x38, s15  }
0x22: {  	s16 =	sxor.u32 @!p1 $0xFFFFFFFF, s11;
	s17 =	smul.u32 @!p1 $0x380, s10  }
0x23: {  	s31 =	sadd.s32 $0xFFFFFFFF, s11;
	s16 =	sshll.u32 @!p1 s16, $0xB;
	s14 =	ssub.s32 @!p1 s14, s15  }
0x24: {  	s15 =	sand.u32 @!p1 $0x800, s16;
	s16 =	sadd.s32 @!p1 s6, s17;
	s14 =	sshll.u32 @!p1 s14, $0x4  }
0x25: {  	s17 =	simm.s32 @!p1 $0x1C00;
	s14 =	sadd.s32 @!p1 s14, s16;
	s16 =	simm.s32 @!p1 $0x10  }
0x26: {  	[tilespmem:s15], [sflag:$0x1] =	stream.strided.gather @!p1 [hbm4b:s14+s16], $0x800, s17, s16, $0x38;
	[tilespmem:$0x2020] =	vst v63  }
0x27: {  	p1 =	sge.u32 s31, s5  }
.Ltmp2:
0x28: {  	_ = 	snop;
	(pc) =	sbr.rel @p1 .LBB1_5-.Ltmp2, $1  }
0x29: {  	_ =	sdelay $0x3  }
0x2a: {  	s14 =	simm.s32 $0x1  }
0x2b: {  	s14 =	simm.s32 @!p0 $0x0  }
0x2c: {  	s15 =	sshll.u32 s14, $0xB  }
0x2d: {  	v0 =	vmov s15;
	_ =	sdelay $0x1  }
0x2e: {  	_ =	swait.ge [sflag:s4], $0x800  }
0x2f: {  	s31 =	sand.u32 $0x1, s11;
	[sflag:s4] =	ssyncset.done $0x0  }
0x30: {  	s17 =	simm.s32 $0x0;
	s14 =	smul.u32 $0x2040, s14;
	[sflag:s4] =	ssyncadd.s32 $0xFFFFF800  }
0x31: {  	s15 =	smul.u32 $0x2040, s31;
	v1 =	vld.idx.msk [tilespmem:v0+s17+$0x0 ss:$0x1], $0xffff;
	_ =	sdelay $0x1  }
0x32: {  	s14 =	sshrl.u32 s14, $0x2;
	s16 =	sshrl.u32 s15, $0x2  }
0x33: {  	s15 =	sor.u32 $0x1000, s14;
	s14 =	sor.u32 $0x1000, s16;
	s16 =	simm.s32 $0x40  }
.LBB1_3:
0x34: {  	s17 =	sshra.s32 s16, $0x2;
	p1 =	sne.s32 s16, $0x1FC0;
	s16 =	sadd.s32 $0x40, s16  }
.Ltmp3:
0x35: {  	[tilespmem:s15+$0x0 ss:$0x81] =	vst.msk $0xffff, v1;
	v1 =	vld.idx.msk [tilespmem:v0+s17+$0x0 ss:$0x1], $0xffff;
	(pc) =	sbr.rel @p1 .LBB1_3-.Ltmp3, $2  }
0x36: {  	_ =	sdelay $0x2  }
0x37: {  	s15 =	sadd.s32 $0x1, s15  }
.Ltmp4:
0x38: {  	_ = 	snop;
	(pc) =	sbr.rel .LBB1_4-.Ltmp4, $1  }
0x39: {  	_ =	sdelay $0x3  }
.LBB1_6:
0x3a: {  	_ =	sfence.sel $0x180000  }
0x3b: {  	s2 =	simm.s32 $0x1;
	[bflag:$0x0] =	sbarrier.arrive $0xFFFF  }
0x3c: {  	s31 =	simm.s32 $0x2;
	[sflag:s2] =	ssyncpa.u1 $0x1  }
0x3d: {  	[sflag:s31] =	ssyncpa.u1 $0x1  }
0x3e: {  	p0 =	sne.s32 s0, $0x0;
	_ =	strace $0x9000004D  }
0x3f: {  	s0 =	sadd.s32 @!p0 $0x100000, s1;
	[bflag:$0x2] =	sbarrier.arrive $0xFFFF  }
0x40: {  	[sflag:s0] =	ssyncadd.tile.s32 @!p0 $0x1;
	_ =	shalt  }
.Lfunc_end1:
_tile_overlayer_lowered:
.L_overlay_start_2:
0x41: {  	(tag) =	ssettag $0x2  }
0x42: {  	s0 =	rddreg [dreg:$0x0];
	s2 =	stileid.u32  }
0x43: {  	s1 =	rddreg [dreg:$0x1];
	p0 =	sne.s32 s2, $0x0  }
0x44: {  	s3 =	rddreg [dreg:$0x2];
	[bflag:$0x3] =	sbarrier.arrive $0xFFFF;
	s2 =	simm.s32 @!p0 $0x1C01  }
0x45: {  	[timem:s3], [sflag:s2] =	dma.local @!p0 [hbm:s0], s1  }
0x46: {  	s0 =	simm.s32 @!p0 $0x1  }
0x47: {  	_ =	swait.ge @!p0 [sflag:s0], s1  }
0x48: {  	s1 =	ssub.s32 @!p0 $0x0, s1;
	[sflag:s0] =	ssyncset.done @!p0 $0x0  }
0x49: {  	[sflag:s0] =	ssyncadd.s32 @!p0 s1  }
0x4a: {  	[bflag:$0x3] =	sbarrier.arrive $0xFFFF  }
0x4b: {  	_ =	shalt  }

</sc_bundles>
